<compile_context>
chip_gen: v7x
topology: tpu7x:2x2x1
jax: 0.10.2.dev20260603
libtpu: 0.0.44.dev20260713+nightly
codegen_flags: <defaults>
</compile_context>

<pallas_src>
import jax
import jax.numpy as jnp
from jax import lax
from jax.experimental import pallas as pl
from jax.experimental.pallas import tpu as pltpu
from jax.experimental.pallas import tpu_sc as plsc

N_ROWS = 10000
D = 128
DW = D // 2
E = 320000

NC = 2
NS = 16
NW = NC * NS

EW = E // NW
SB = 10000
NSB = EW // SB
CB = 80
NCHUNK = SB // CB


def _dot_chunk(ra, rb, out_v, b, out_base):
    lanes = lax.iota(jnp.int32, 16)

    def group(g, _):
        gbase = g * 16

        def quad(m, out16):
            for jj in range(4):
                j = m * 4 + jj
                e = gbase + j
                prods = []
                for k in range(DW // 16):
                    wa = ra[b, e, pl.ds(k * 16, 16)]
                    wb = rb[b, e, pl.ds(k * 16, 16)]
                    pa = plsc.bitcast(wa, jnp.bfloat16)
                    pb = plsc.bitcast(wb, jnp.bfloat16)
                    p0, p1 = plsc.unpack(pa * pb,
                                         format=plsc.PackFormat.INTERLEAVED)
                    prods.append(p0 + p1)
                s = jnp.sum((prods[0] + prods[1]) + (prods[2] + prods[3]))
                out16 = jnp.where(lanes == j, s, out16)
            return out16

        out16 = lax.fori_loop(0, 4, quad, jnp.zeros((16,), jnp.float32),
                              unroll=False)
        out_v[pl.ds(out_base + gbase, 16)] = out16
        return 0

    lax.fori_loop(0, CB // 16, group, 0, unroll=False)


def _kernel_body(xa_hbm, xb_hbm, src_hbm, dst_hbm, out_hbm,
                 sa, sb, ia, ib, ra, rb, out_v, sems):
    cid = lax.axis_index("c")
    sid = lax.axis_index("s")
    wid = sid * NC + cid
    wbase = wid * EW

    @pl.when(sid == 0)
    def _():
        pltpu.sync_copy(xa_hbm, sa)
        pltpu.sync_copy(xb_hbm, sb)

    plsc.subcore_barrier()

    def gather(c):
        b = lax.rem(c, 2)
        off = c * CB
        pltpu.make_async_copy(
            sa.at[ia.at[pl.ds(off, CB)]], ra.at[b], sems.at[b]).start()
        pltpu.make_async_copy(
            sb.at[ib.at[pl.ds(off, CB)]], rb.at[b], sems.at[b]).start()

    def wait_chunk(b):
        pltpu.make_async_copy(sa.at[ia.at[pl.ds(0, CB)]],
                              ra.at[b], sems.at[b]).wait()
        pltpu.make_async_copy(sb.at[ib.at[pl.ds(0, CB)]],
                              rb.at[b], sems.at[b]).wait()

    def super_block(t, _):
        sbase = wbase + t * SB
        pltpu.sync_copy(src_hbm.at[pl.ds(sbase, SB)], ia)
        pltpu.sync_copy(dst_hbm.at[pl.ds(sbase, SB)], ib)

        def step(i, _):
            @pl.when(i < NCHUNK)
            def _():
                gather(i)

            @pl.when(i >= 1)
            def _():
                c = i - 1
                b = lax.rem(c, 2)
                wait_chunk(b)
                _dot_chunk(ra, rb, out_v, b, c * CB)

            return 0

        lax.fori_loop(0, NCHUNK + 1, step, 0, unroll=False)

        pltpu.sync_copy(out_v, out_hbm.at[pl.ds(sbase, SB)])
        return 0

    lax.fori_loop(0, NSB, super_block, 0, unroll=False)


@jax.jit
def _run(xa32, xb32, src, dst):
    mesh = plsc.VectorSubcoreMesh(core_axis_name="c", subcore_axis_name="s")
    return pl.kernel(
        _kernel_body,
        out_type=jax.ShapeDtypeStruct((E,), jnp.float32),
        mesh=mesh,
        compiler_params=pltpu.CompilerParams(needs_layout_passes=False,
                                             use_tc_tiling_on_sc=False),
        scratch_types=[
            pltpu.VMEM_SHARED((N_ROWS, DW), jnp.int32),
            pltpu.VMEM_SHARED((N_ROWS, DW), jnp.int32),
            pltpu.VMEM((SB,), jnp.int32),
            pltpu.VMEM((SB,), jnp.int32),
            pltpu.VMEM((2, CB, DW), jnp.int32),
            pltpu.VMEM((2, CB, DW), jnp.int32),
            pltpu.VMEM((SB,), jnp.float32),
            pltpu.SemaphoreType.DMA((2,)),
        ],
    )(xa32, xb32, src, dst)


def _pack_bf16(x):
    return lax.bitcast_convert_type(
        x.astype(jnp.bfloat16).reshape(N_ROWS, DW, 2), jnp.int32)


def kernel(x_miRNA, x_disease, edge_label_index):
    edges = edge_label_index.astype(jnp.int32)
    return _run(_pack_bf16(x_miRNA), _pack_bf16(x_disease),
                edges[0], edges[1])

# --- scband reference (transcript-rebuilt; emitter-appended) ---
"""Pipeline reference for scband-rdgcndecoder-53953379173286 (READ-ONLY COPY).

The authoritative reference and input builder live on the scoring server;
editing this copy changes nothing except your own understanding.
"""

import jax, jax.numpy as jnp
import numpy as np

N_MI = 10000
N_DIS = 10000
D = 128
E = 320000

def setup_inputs(seed: int = 0) -> dict:
    key = jax.random.key(seed)
    k1, k2, k3, k4 = jax.random.split(key, 4)
    x_miRNA = jax.random.normal(k1, (N_MI, D), dtype=jnp.float32)
    x_disease = jax.random.normal(k2, (N_DIS, D), dtype=jnp.float32)
    src = jax.random.randint(k3, (E,), 0, N_MI, dtype=jnp.int64)
    dst = jax.random.randint(k4, (E,), 0, N_DIS, dtype=jnp.int64)
    edge_label_index = jnp.stack([src, dst], axis=0)
    return {"x_miRNA": x_miRNA, "x_disease": x_disease, "edge_label_index": edge_label_index}

def reference(x_miRNA, x_disease, edge_label_index):
    # Faithful translation of RDGCNDecoder.forward:
    # edge_feature_RNA = x_miRNA[edge_label_index[0]]
    # edge_feature_disease = x_disease[edge_label_index[1]]
    # return (edge_feature_RNA * edge_feature_disease).sum(dim=-1)
    edge_feature_RNA = jnp.take(x_miRNA, edge_label_index[0], axis=0)
    edge_feature_disease = jnp.take(x_disease, edge_label_index[1], axis=0)
    return (edge_feature_RNA * edge_feature_disease).sum(axis=-1)

if __name__ == "__main__":
    import jax
    _d = setup_inputs()
    print(jax.jit(kernel)(*tuple(_d.values())))

</pallas_src>

<mosaic_0001>
#map = affine_map<(d0, d1) -> (0, 0)>
#map1 = affine_map<(d0, d1) -> (0)>
module attributes {stable_mosaic.version = 14 : i64} {
  func.func @_kernel_body(%arg0: i32, %arg1: i32, %arg2: memref<10000x64xi32, #tpu.memory_space<hbm>>, %arg3: memref<10000x64xi32, #tpu.memory_space<hbm>>, %arg4: memref<320000xi32, #tpu.memory_space<hbm>>, %arg5: memref<320000xi32, #tpu.memory_space<hbm>>, %arg6: memref<320000xf32, #tpu.memory_space<hbm>>, %arg7: memref<10000x64xi32, #tpu.memory_space<vmem_shared>>, %arg8: memref<10000x64xi32, #tpu.memory_space<vmem_shared>>, %arg9: memref<10000xi32, #tpu.memory_space<vmem>>, %arg10: memref<10000xi32, #tpu.memory_space<vmem>>, %arg11: memref<2x80x64xi32, #tpu.memory_space<vmem>>, %arg12: memref<2x80x64xi32, #tpu.memory_space<vmem>>, %arg13: memref<10000xf32, #tpu.memory_space<vmem>>, %arg14: memref<2x!tpu.dma_semaphore, #tpu.memory_space<semaphore_mem>>) attributes {dimension_semantics = [#tpu.dimension_semantics<core_parallel>, #tpu.dimension_semantics<subcore_parallel>], iteration_bounds = array<i64: 2, 16>, scalar_prefetch = 0 : i64, scratch_operands = 8 : i64, tpu.core_type = #tpu.core_type<sc_vector_subcore>, window_params = [{transform_indices = #map}, {transform_indices = #map}, {transform_indices = #map1}, {transform_indices = #map1}, {transform_indices = #map1}]} {
    %mul3A = arith.constant 2 : i32
    %mul3A_0 = arith.muli %arg1, %mul3A : i32
    %add3A = arith.addi %mul3A_0, %arg0 : i32
    %mul3A_1 = arith.constant 10000 : i32
    %mul3A_2 = arith.muli %add3A, %mul3A_1 : i32
    %eq3A = arith.constant 0 : i32
    %eq3A_3 = arith.cmpi eq, %arg1, %eq3A : i32
    %convert_element_type3A = arith.extui %eq3A_3 : i1 to i32
    %cond3A = arith.constant 0 : i32
    %cond3A_4 = arith.cmpi ne, %convert_element_type3A, %cond3A : i32
    scf.if %cond3A_4 {
      "tpu.region"() ({
        %run_scoped3A = tpu.sem_alloc : memref<!tpu.dma_semaphore, #tpu.memory_space<semaphore_mem>>
        tpu.enqueue_dma source(%arg2 : memref<10000x64xi32, #tpu.memory_space<hbm>>) target(%arg7 : memref<10000x64xi32, #tpu.memory_space<vmem_shared>>) target_semaphore(%run_scoped3A : memref<!tpu.dma_semaphore, #tpu.memory_space<semaphore_mem>>)
        tpu.wait_dma2 semaphore(%run_scoped3A : memref<!tpu.dma_semaphore, #tpu.memory_space<semaphore_mem>>) src(%arg2 : memref<10000x64xi32, #tpu.memory_space<hbm>>) dst(%arg7 : memref<10000x64xi32, #tpu.memory_space<vmem_shared>>)
        tpu.yield
      }) : () -> ()
      "tpu.region"() ({
        %run_scoped3A = tpu.sem_alloc : memref<!tpu.dma_semaphore, #tpu.memory_space<semaphore_mem>>
        tpu.enqueue_dma source(%arg3 : memref<10000x64xi32, #tpu.memory_space<hbm>>) target(%arg8 : memref<10000x64xi32, #tpu.memory_space<vmem_shared>>) target_semaphore(%run_scoped3A : memref<!tpu.dma_semaphore, #tpu.memory_space<semaphore_mem>>)
        tpu.wait_dma2 semaphore(%run_scoped3A : memref<!tpu.dma_semaphore, #tpu.memory_space<semaphore_mem>>) src(%arg3 : memref<10000x64xi32, #tpu.memory_space<hbm>>) dst(%arg8 : memref<10000x64xi32, #tpu.memory_space<vmem_shared>>)
        tpu.yield
      }) : () -> ()
    } else {
    }
    %barrier3A = arith.constant 0 : index
    tpu.barrier barrier_id(%barrier3A)
    %scan3A = arith.constant 0 : i32
    %scan3A_5 = arith.constant 0 : i32
    %mul3A_6 = arith.constant 10000 : i32
    %mul3A_7 = arith.muli %scan3A_5, %mul3A_6 : i32
    %add3A_8 = arith.addi %mul3A_2, %mul3A_7 : i32
    "tpu.region"() ({
      %run_scoped3A = tpu.sem_alloc : memref<!tpu.dma_semaphore, #tpu.memory_space<semaphore_mem>>
      %dma_start3A = tpu.memref_slice %arg4[%add3A_8] : memref<320000xi32, #tpu.memory_space<hbm>> -> memref<10000xi32, #tpu.memory_space<hbm>>
      %dma_start3A_18 = tpu.memref_slice %arg4[%add3A_8] : memref<320000xi32, #tpu.memory_space<hbm>> -> memref<10000xi32, #tpu.memory_space<hbm>>
      tpu.enqueue_dma source(%dma_start3A_18 : memref<10000xi32, #tpu.memory_space<hbm>>) target(%arg9 : memref<10000xi32, #tpu.memory_space<vmem>>) target_semaphore(%run_scoped3A : memref<!tpu.dma_semaphore, #tpu.memory_space<semaphore_mem>>)
      %dma_wait3A = tpu.memref_slice %arg4[%add3A_8] : memref<320000xi32, #tpu.memory_space<hbm>> -> memref<10000xi32, #tpu.memory_space<hbm>>
      %dma_wait3A_19 = tpu.memref_slice %arg4[%add3A_8] : memref<320000xi32, #tpu.memory_space<hbm>> -> memref<10000xi32, #tpu.memory_space<hbm>>
      tpu.wait_dma2 semaphore(%run_scoped3A : memref<!tpu.dma_semaphore, #tpu.memory_space<semaphore_mem>>) src(%dma_wait3A_19 : memref<10000xi32, #tpu.memory_space<hbm>>) dst(%arg9 : memref<10000xi32, #tpu.memory_space<vmem>>)
      tpu.yield
    }) : () -> ()
    "tpu.region"() ({
      %run_scoped3A = tpu.sem_alloc : memref<!tpu.dma_semaphore, #tpu.memory_space<semaphore_mem>>
      %dma_start3A = tpu.memref_slice %arg5[%add3A_8] : memref<320000xi32, #tpu.memory_space<hbm>> -> memref<10000xi32, #tpu.memory_space<hbm>>
      %dma_start3A_18 = tpu.memref_slice %arg5[%add3A_8] : memref<320000xi32, #tpu.memory_space<hbm>> -> memref<10000xi32, #tpu.memory_space<hbm>>
      tpu.enqueue_dma source(%dma_start3A_18 : memref<10000xi32, #tpu.memory_space<hbm>>) target(%arg10 : memref<10000xi32, #tpu.memory_space<vmem>>) target_semaphore(%run_scoped3A : memref<!tpu.dma_semaphore, #tpu.memory_space<semaphore_mem>>)
      %dma_wait3A = tpu.memref_slice %arg5[%add3A_8] : memref<320000xi32, #tpu.memory_space<hbm>> -> memref<10000xi32, #tpu.memory_space<hbm>>
      %dma_wait3A_19 = tpu.memref_slice %arg5[%add3A_8] : memref<320000xi32, #tpu.memory_space<hbm>> -> memref<10000xi32, #tpu.memory_space<hbm>>
      tpu.wait_dma2 semaphore(%run_scoped3A : memref<!tpu.dma_semaphore, #tpu.memory_space<semaphore_mem>>) src(%dma_wait3A_19 : memref<10000xi32, #tpu.memory_space<hbm>>) dst(%arg10 : memref<10000xi32, #tpu.memory_space<vmem>>)
      tpu.yield
    }) : () -> ()
    %scan3A_9 = arith.constant 0 : i32
    %scan3A_10 = arith.constant 0 : i32
    %scan3A_11 = arith.constant 126 : i32
    %scan3A_12 = arith.addi %scan3A_10, %scan3A_11 : i32
    %scan3A_13 = arith.constant 1 : i32
    %scan3A_14 = scf.for %scan3A_18 = %scan3A_10 to %scan3A_12 step %scan3A_13 iter_args(%scan3A_19 = %scan3A_9) -> (i32)  : i32 {
      %lt3A = arith.constant 125 : i32
      %lt3A_20 = arith.cmpi slt, %scan3A_18, %lt3A : i32
      %convert_element_type3A_21 = arith.extui %lt3A_20 : i1 to i32
      %cond3A_22 = arith.constant 0 : i32
      %cond3A_23 = arith.cmpi ne, %convert_element_type3A_21, %cond3A_22 : i32
      scf.if %cond3A_23 {
        %rem3A = arith.constant 2 : i32
        %rem3A_29 = arith.remsi %scan3A_18, %rem3A : i32
        %mul3A_30 = arith.constant 80 : i32
        %mul3A_31 = arith.muli %scan3A_18, %mul3A_30 : i32
        %dma_start3A = arith.constant 0 : i32
        %dma_start3A_32 = arith.constant 0 : i32
        %dma_start3A_33 = tpu.memref_slice %arg11[%rem3A_29, %dma_start3A, %dma_start3A_32] : memref<2x80x64xi32, #tpu.memory_space<vmem>> -> memref<1x80x64xi32, #tpu.memory_space<vmem>>
        %dma_start3A_34 = tpu.memref_squeeze %dma_start3A_33 : memref<1x80x64xi32, #tpu.memory_space<vmem>> -> memref<80x64xi32, #tpu.memory_space<vmem>>
        %dma_start3A_35 = tpu.memref_slice %arg9[%mul3A_31] : memref<10000xi32, #tpu.memory_space<vmem>> -> memref<80xi32, #tpu.memory_space<vmem>>
        %dma_start3A_36 = arith.constant 0 : i32
        %dma_start3A_37 = arith.constant 0 : i32
        %dma_start3A_38 = tpu.memref_slice %arg7[%dma_start3A_36, %dma_start3A_37] : memref<10000x64xi32, #tpu.memory_space<vmem_shared>> -> memref<10000x64xi32, #tpu.memory_space<vmem_shared>>
        %dma_start3A_39 = tpu.memref_slice %arg14[%rem3A_29] : memref<2x!tpu.dma_semaphore, #tpu.memory_space<semaphore_mem>> -> memref<1x!tpu.dma_semaphore, #tpu.memory_space<semaphore_mem>>
        %dma_start3A_40 = tpu.memref_squeeze %dma_start3A_39 : memref<1x!tpu.dma_semaphore, #tpu.memory_space<semaphore_mem>> -> memref<!tpu.dma_semaphore, #tpu.memory_space<semaphore_mem>>
        tpu.enqueue_indirect_dma source(%dma_start3A_38 : memref<10000x64xi32, #tpu.memory_space<vmem_shared>>) target(%dma_start3A_34 : memref<80x64xi32, #tpu.memory_space<vmem>>) offsets(%dma_start3A_35 : memref<80xi32, #tpu.memory_space<vmem>>) semaphore(%dma_start3A_40 : memref<!tpu.dma_semaphore, #tpu.memory_space<semaphore_mem>>)
        %dma_start3A_41 = arith.constant 0 : i32
        %dma_start3A_42 = arith.constant 0 : i32
        %dma_start3A_43 = tpu.memref_slice %arg12[%rem3A_29, %dma_start3A_41, %dma_start3A_42] : memref<2x80x64xi32, #tpu.memory_space<vmem>> -> memref<1x80x64xi32, #tpu.memory_space<vmem>>
        %dma_start3A_44 = tpu.memref_squeeze %dma_start3A_43 : memref<1x80x64xi32, #tpu.memory_space<vmem>> -> memref<80x64xi32, #tpu.memory_space<vmem>>
        %dma_start3A_45 = tpu.memref_slice %arg10[%mul3A_31] : memref<10000xi32, #tpu.memory_space<vmem>> -> memref<80xi32, #tpu.memory_space<vmem>>
        %dma_start3A_46 = arith.constant 0 : i32
        %dma_start3A_47 = arith.constant 0 : i32
        %dma_start3A_48 = tpu.memref_slice %arg8[%dma_start3A_46, %dma_start3A_47] : memref<10000x64xi32, #tpu.memory_space<vmem_shared>> -> memref<10000x64xi32, #tpu.memory_space<vmem_shared>>
        %dma_start3A_49 = tpu.memref_slice %arg14[%rem3A_29] : memref<2x!tpu.dma_semaphore, #tpu.memory_space<semaphore_mem>> -> memref<1x!tpu.dma_semaphore, #tpu.memory_space<semaphore_mem>>
        %dma_start3A_50 = tpu.memref_squeeze %dma_start3A_49 : memref<1x!tpu.dma_semaphore, #tpu.memory_space<semaphore_mem>> -> memref<!tpu.dma_semaphore, #tpu.memory_space<semaphore_mem>>
        tpu.enqueue_indirect_dma source(%dma_start3A_48 : memref<10000x64xi32, #tpu.memory_space<vmem_shared>>) target(%dma_start3A_44 : memref<80x64xi32, #tpu.memory_space<vmem>>) offsets(%dma_start3A_45 : memref<80xi32, #tpu.memory_space<vmem>>) semaphore(%dma_start3A_50 : memref<!tpu.dma_semaphore, #tpu.memory_space<semaphore_mem>>)
      } else {
      }
      %ge3A = arith.constant 1 : i32
      %ge3A_24 = arith.cmpi sge, %scan3A_18, %ge3A : i32
      %convert_element_type3A_25 = arith.extui %ge3A_24 : i1 to i32
      %cond3A_26 = arith.constant 0 : i32
      %cond3A_27 = arith.cmpi ne, %convert_element_type3A_25, %cond3A_26 : i32
      scf.if %cond3A_27 {
        %sub3A = arith.constant 1 : i32
        %sub3A_29 = arith.subi %scan3A_18, %sub3A : i32
        %rem3A = arith.constant 2 : i32
        %rem3A_30 = arith.remsi %sub3A_29, %rem3A : i32
        %dma_wait3A = arith.constant 0 : i32
        %dma_wait3A_31 = arith.constant 0 : i32
        %dma_wait3A_32 = tpu.memref_slice %arg11[%rem3A_30, %dma_wait3A, %dma_wait3A_31] : memref<2x80x64xi32, #tpu.memory_space<vmem>> -> memref<1x80x64xi32, #tpu.memory_space<vmem>>
        %dma_wait3A_33 = tpu.memref_squeeze %dma_wait3A_32 : memref<1x80x64xi32, #tpu.memory_space<vmem>> -> memref<80x64xi32, #tpu.memory_space<vmem>>
        %dma_wait3A_34 = arith.constant 0 : i32
        %dma_wait3A_35 = tpu.memref_slice %arg9[%dma_wait3A_34] : memref<10000xi32, #tpu.memory_space<vmem>> -> memref<80xi32, #tpu.memory_space<vmem>>
        %dma_wait3A_36 = arith.constant 0 : i32
        %dma_wait3A_37 = arith.constant 0 : i32
        %dma_wait3A_38 = tpu.memref_slice %arg7[%dma_wait3A_36, %dma_wait3A_37] : memref<10000x64xi32, #tpu.memory_space<vmem_shared>> -> memref<10000x64xi32, #tpu.memory_space<vmem_shared>>
        %dma_wait3A_39 = tpu.memref_slice %arg14[%rem3A_30] : memref<2x!tpu.dma_semaphore, #tpu.memory_space<semaphore_mem>> -> memref<1x!tpu.dma_semaphore, #tpu.memory_space<semaphore_mem>>
        %dma_wait3A_40 = tpu.memref_squeeze %dma_wait3A_39 : memref<1x!tpu.dma_semaphore, #tpu.memory_space<semaphore_mem>> -> memref<!tpu.dma_semaphore, #tpu.memory_space<semaphore_mem>>
        tpu.wait_indirect_dma semaphore(%dma_wait3A_40 : memref<!tpu.dma_semaphore, #tpu.memory_space<semaphore_mem>>) src(%dma_wait3A_38 : memref<10000x64xi32, #tpu.memory_space<vmem_shared>>) dst(%dma_wait3A_33 : memref<80x64xi32, #tpu.memory_space<vmem>>)
        %dma_wait3A_41 = arith.constant 0 : i32
        %dma_wait3A_42 = arith.constant 0 : i32
        %dma_wait3A_43 = tpu.memref_slice %arg12[%rem3A_30, %dma_wait3A_41, %dma_wait3A_42] : memref<2x80x64xi32, #tpu.memory_space<vmem>> -> memref<1x80x64xi32, #tpu.memory_space<vmem>>
        %dma_wait3A_44 = tpu.memref_squeeze %dma_wait3A_43 : memref<1x80x64xi32, #tpu.memory_space<vmem>> -> memref<80x64xi32, #tpu.memory_space<vmem>>
        %dma_wait3A_45 = arith.constant 0 : i32
        %dma_wait3A_46 = tpu.memref_slice %arg10[%dma_wait3A_45] : memref<10000xi32, #tpu.memory_space<vmem>> -> memref<80xi32, #tpu.memory_space<vmem>>
        %dma_wait3A_47 = arith.constant 0 : i32
        %dma_wait3A_48 = arith.constant 0 : i32
        %dma_wait3A_49 = tpu.memref_slice %arg8[%dma_wait3A_47, %dma_wait3A_48] : memref<10000x64xi32, #tpu.memory_space<vmem_shared>> -> memref<10000x64xi32, #tpu.memory_space<vmem_shared>>
        %dma_wait3A_50 = tpu.memref_slice %arg14[%rem3A_30] : memref<2x!tpu.dma_semaphore, #tpu.memory_space<semaphore_mem>> -> memref<1x!tpu.dma_semaphore, #tpu.memory_space<semaphore_mem>>
        %dma_wait3A_51 = tpu.memref_squeeze %dma_wait3A_50 : memref<1x!tpu.dma_semaphore, #tpu.memory_space<semaphore_mem>> -> memref<!tpu.dma_semaphore, #tpu.memory_space<semaphore_mem>>
        tpu.wait_indirect_dma semaphore(%dma_wait3A_51 : memref<!tpu.dma_semaphore, #tpu.memory_space<semaphore_mem>>) src(%dma_wait3A_49 : memref<10000x64xi32, #tpu.memory_space<vmem_shared>>) dst(%dma_wait3A_44 : memref<80x64xi32, #tpu.memory_space<vmem>>)
        %mul3A_52 = arith.constant 80 : i32
        %mul3A_53 = arith.muli %sub3A_29, %mul3A_52 : i32
        %iota3A = tpu.iota {dimensions = array<i32: 0>} : vector<16xi32>
        %scan3A_54 = arith.constant 0 : i32
        %scan3A_55 = arith.constant 0 : i32
        %scan3A_56 = arith.constant 5 : i32
        %scan3A_57 = arith.addi %scan3A_55, %scan3A_56 : i32
        %scan3A_58 = arith.constant 1 : i32
        %scan3A_59 = scf.for %scan3A_61 = %scan3A_55 to %scan3A_57 step %scan3A_58 iter_args(%scan3A_62 = %scan3A_54) -> (i32)  : i32 {
          %mul3A_63 = arith.constant 16 : i32
          %mul3A_64 = arith.muli %scan3A_61, %mul3A_63 : i32
          %broadcast_in_dim3A = arith.constant 0.000000e+00 : f32
          %broadcast_in_dim3A_65 = vector.broadcast %broadcast_in_dim3A : f32 to vector<16xf32>
          %scan3A_66 = arith.constant 0 : i32
          %scan3A_67 = arith.constant 4 : i32
          %scan3A_68 = arith.addi %scan3A_66, %scan3A_67 : i32
          %scan3A_69 = arith.constant 1 : i32
          %scan3A_70 = scf.for %scan3A_75 = %scan3A_66 to %scan3A_68 step %scan3A_69 iter_args(%scan3A_76 = %broadcast_in_dim3A_65) -> (vector<16xf32>)  : i32 {
            %mul3A_77 = arith.constant 4 : i32
            %mul3A_78 = arith.muli %scan3A_75, %mul3A_77 : i32
            %add3A_79 = arith.constant 0 : i32
            %add3A_80 = arith.addi %mul3A_78, %add3A_79 : i32
            %add3A_81 = arith.addi %mul3A_64, %add3A_80 : i32
            %get3A = arith.index_cast %rem3A_30 : i32 to index
            %get3A_82 = arith.index_cast %add3A_81 : i32 to index
            %get3A_83 = arith.constant 0 : index
            %get3A_84 = tpu.vector_load %arg11[%get3A, %get3A_82, %get3A_83] {strides = array<i32>} : memref<2x80x64xi32, #tpu.memory_space<vmem>>, vector<16xi32>,
            %get3A_85 = arith.index_cast %rem3A_30 : i32 to index
            %get3A_86 = arith.index_cast %add3A_81 : i32 to index
            %get3A_87 = arith.constant 0 : index
            %get3A_88 = tpu.vector_load %arg12[%get3A_85, %get3A_86, %get3A_87] {strides = array<i32>} : memref<2x80x64xi32, #tpu.memory_space<vmem>>, vector<16xi32>,
            %bitcast3A = vector.bitcast %get3A_84 : vector<16xi32> to vector<32xbf16>
            %bitcast3A_89 = vector.bitcast %get3A_88 : vector<16xi32> to vector<32xbf16>
            %mul3A_90 = arith.mulf %bitcast3A, %bitcast3A_89 : vector<32xbf16>
            %unpack3A = tpu.unpack_subelements %mul3A_90, 0 {pack_format = #tpu.pack_format<interleaved>} : vector<32xbf16> -> vector<16xf32>
            %unpack3A_91 = tpu.unpack_subelements %mul3A_90, 1 {pack_format = #tpu.pack_format<interleaved>} : vector<32xbf16> -> vector<16xf32>
            %add3A_92 = arith.addf %unpack3A, %unpack3A_91 : vector<16xf32>
            %get3A_93 = arith.index_cast %rem3A_30 : i32 to index
            %get3A_94 = arith.index_cast %add3A_81 : i32 to index
            %get3A_95 = arith.constant 16 : index
            %get3A_96 = tpu.vector_load %arg11[%get3A_93, %get3A_94, %get3A_95] {strides = array<i32>} : memref<2x80x64xi32, #tpu.memory_space<vmem>>, vector<16xi32>,
            %get3A_97 = arith.index_cast %rem3A_30 : i32 to index
            %get3A_98 = arith.index_cast %add3A_81 : i32 to index
            %get3A_99 = arith.constant 16 : index
            %get3A_100 = tpu.vector_load %arg12[%get3A_97, %get3A_98, %get3A_99] {strides = array<i32>} : memref<2x80x64xi32, #tpu.memory_space<vmem>>, vector<16xi32>,
            %bitcast3A_101 = vector.bitcast %get3A_96 : vector<16xi32> to vector<32xbf16>
            %bitcast3A_102 = vector.bitcast %get3A_100 : vector<16xi32> to vector<32xbf16>
            %mul3A_103 = arith.mulf %bitcast3A_101, %bitcast3A_102 : vector<32xbf16>
            %unpack3A_104 = tpu.unpack_subelements %mul3A_103, 0 {pack_format = #tpu.pack_format<interleaved>} : vector<32xbf16> -> vector<16xf32>
            %unpack3A_105 = tpu.unpack_subelements %mul3A_103, 1 {pack_format = #tpu.pack_format<interleaved>} : vector<32xbf16> -> vector<16xf32>
            %add3A_106 = arith.addf %unpack3A_104, %unpack3A_105 : vector<16xf32>
            %get3A_107 = arith.index_cast %rem3A_30 : i32 to index
            %get3A_108 = arith.index_cast %add3A_81 : i32 to index
            %get3A_109 = arith.constant 32 : index
            %get3A_110 = tpu.vector_load %arg11[%get3A_107, %get3A_108, %get3A_109] {strides = array<i32>} : memref<2x80x64xi32, #tpu.memory_space<vmem>>, vector<16xi32>,
            %get3A_111 = arith.index_cast %rem3A_30 : i32 to index
            %get3A_112 = arith.index_cast %add3A_81 : i32 to index
            %get3A_113 = arith.constant 32 : index
            %get3A_114 = tpu.vector_load %arg12[%get3A_111, %get3A_112, %get3A_113] {strides = array<i32>} : memref<2x80x64xi32, #tpu.memory_space<vmem>>, vector<16xi32>,
            %bitcast3A_115 = vector.bitcast %get3A_110 : vector<16xi32> to vector<32xbf16>
            %bitcast3A_116 = vector.bitcast %get3A_114 : vector<16xi32> to vector<32xbf16>
            %mul3A_117 = arith.mulf %bitcast3A_115, %bitcast3A_116 : vector<32xbf16>
            %unpack3A_118 = tpu.unpack_subelements %mul3A_117, 0 {pack_format = #tpu.pack_format<interleaved>} : vector<32xbf16> -> vector<16xf32>
            %unpack3A_119 = tpu.unpack_subelements %mul3A_117, 1 {pack_format = #tpu.pack_format<interleaved>} : vector<32xbf16> -> vector<16xf32>
            %add3A_120 = arith.addf %unpack3A_118, %unpack3A_119 : vector<16xf32>
            %get3A_121 = arith.index_cast %rem3A_30 : i32 to index
            %get3A_122 = arith.index_cast %add3A_81 : i32 to index
            %get3A_123 = arith.constant 48 : index
            %get3A_124 = tpu.vector_load %arg11[%get3A_121, %get3A_122, %get3A_123] {strides = array<i32>} : memref<2x80x64xi32, #tpu.memory_space<vmem>>, vector<16xi32>,
            %get3A_125 = arith.index_cast %rem3A_30 : i32 to index
            %get3A_126 = arith.index_cast %add3A_81 : i32 to index
            %get3A_127 = arith.constant 48 : index
            %get3A_128 = tpu.vector_load %arg12[%get3A_125, %get3A_126, %get3A_127] {strides = array<i32>} : memref<2x80x64xi32, #tpu.memory_space<vmem>>, vector<16xi32>,
            %bitcast3A_129 = vector.bitcast %get3A_124 : vector<16xi32> to vector<32xbf16>
            %bitcast3A_130 = vector.bitcast %get3A_128 : vector<16xi32> to vector<32xbf16>
            %mul3A_131 = arith.mulf %bitcast3A_129, %bitcast3A_130 : vector<32xbf16>
            %unpack3A_132 = tpu.unpack_subelements %mul3A_131, 0 {pack_format = #tpu.pack_format<interleaved>} : vector<32xbf16> -> vector<16xf32>
            %unpack3A_133 = tpu.unpack_subelements %mul3A_131, 1 {pack_format = #tpu.pack_format<interleaved>} : vector<32xbf16> -> vector<16xf32>
            %add3A_134 = arith.addf %unpack3A_132, %unpack3A_133 : vector<16xf32>
            %add3A_135 = arith.addf %add3A_92, %add3A_106 : vector<16xf32>
            %add3A_136 = arith.addf %add3A_120, %add3A_134 : vector<16xf32>
            %add3A_137 = arith.addf %add3A_135, %add3A_136 : vector<16xf32>
            %reduce_sum3A = arith.constant true
            %reduce_sum3A_138 = vector.broadcast %reduce_sum3A : i1 to vector<16xi1>
            %reduce_sum3A_139 = tpu.scan <sum>, %add3A_137 masked %reduce_sum3A_138 : vector<16xf32>, vector<16xi1> -> vector<16xf32>
            %reduce_sum3A_140 = vector.extract %reduce_sum3A_139[15] : f32 from vector<16xf32>
            %eq3A_141 = vector.broadcast %add3A_80 : i32 to vector<16xi32>
            %eq3A_142 = arith.cmpi eq, %iota3A, %eq3A_141 : vector<16xi32>
            %broadcast_in_dim3A_143 = vector.broadcast %reduce_sum3A_140 : f32 to vector<16xf32>
            %select_n3A = arith.select %eq3A_142, %broadcast_in_dim3A_143, %scan3A_76 : vector<16xi1>, vector<16xf32>
            %mul3A_144 = arith.constant 4 : i32
            %mul3A_145 = arith.muli %scan3A_75, %mul3A_144 : i32
            %add3A_146 = arith.constant 1 : i32
            %add3A_147 = arith.addi %mul3A_145, %add3A_146 : i32
            %add3A_148 = arith.addi %mul3A_64, %add3A_147 : i32
            %get3A_149 = arith.index_cast %rem3A_30 : i32 to index
            %get3A_150 = arith.index_cast %add3A_148 : i32 to index
            %get3A_151 = arith.constant 0 : index
            %get3A_152 = tpu.vector_load %arg11[%get3A_149, %get3A_150, %get3A_151] {strides = array<i32>} : memref<2x80x64xi32, #tpu.memory_space<vmem>>, vector<16xi32>,
            %get3A_153 = arith.index_cast %rem3A_30 : i32 to index
            %get3A_154 = arith.index_cast %add3A_148 : i32 to index
            %get3A_155 = arith.constant 0 : index
            %get3A_156 = tpu.vector_load %arg12[%get3A_153, %get3A_154, %get3A_155] {strides = array<i32>} : memref<2x80x64xi32, #tpu.memory_space<vmem>>, vector<16xi32>,
            %bitcast3A_157 = vector.bitcast %get3A_152 : vector<16xi32> to vector<32xbf16>
            %bitcast3A_158 = vector.bitcast %get3A_156 : vector<16xi32> to vector<32xbf16>
            %mul3A_159 = arith.mulf %bitcast3A_157, %bitcast3A_158 : vector<32xbf16>
            %unpack3A_160 = tpu.unpack_subelements %mul3A_159, 0 {pack_format = #tpu.pack_format<interleaved>} : vector<32xbf16> -> vector<16xf32>
            %unpack3A_161 = tpu.unpack_subelements %mul3A_159, 1 {pack_format = #tpu.pack_format<interleaved>} : vector<32xbf16> -> vector<16xf32>
            %add3A_162 = arith.addf %unpack3A_160, %unpack3A_161 : vector<16xf32>
            %get3A_163 = arith.index_cast %rem3A_30 : i32 to index
            %get3A_164 = arith.index_cast %add3A_148 : i32 to index
            %get3A_165 = arith.constant 16 : index
            %get3A_166 = tpu.vector_load %arg11[%get3A_163, %get3A_164, %get3A_165] {strides = array<i32>} : memref<2x80x64xi32, #tpu.memory_space<vmem>>, vector<16xi32>,
            %get3A_167 = arith.index_cast %rem3A_30 : i32 to index
            %get3A_168 = arith.index_cast %add3A_148 : i32 to index
            %get3A_169 = arith.constant 16 : index
            %get3A_170 = tpu.vector_load %arg12[%get3A_167, %get3A_168, %get3A_169] {strides = array<i32>} : memref<2x80x64xi32, #tpu.memory_space<vmem>>, vector<16xi32>,
            %bitcast3A_171 = vector.bitcast %get3A_166 : vector<16xi32> to vector<32xbf16>
            %bitcast3A_172 = vector.bitcast %get3A_170 : vector<16xi32> to vector<32xbf16>
            %mul3A_173 = arith.mulf %bitcast3A_171, %bitcast3A_172 : vector<32xbf16>
            %unpack3A_174 = tpu.unpack_subelements %mul3A_173, 0 {pack_format = #tpu.pack_format<interleaved>} : vector<32xbf16> -> vector<16xf32>
            %unpack3A_175 = tpu.unpack_subelements %mul3A_173, 1 {pack_format = #tpu.pack_format<interleaved>} : vector<32xbf16> -> vector<16xf32>
            %add3A_176 = arith.addf %unpack3A_174, %unpack3A_175 : vector<16xf32>
            %get3A_177 = arith.index_cast %rem3A_30 : i32 to index
            %get3A_178 = arith.index_cast %add3A_148 : i32 to index
            %get3A_179 = arith.constant 32 : index
            %get3A_180 = tpu.vector_load %arg11[%get3A_177, %get3A_178, %get3A_179] {strides = array<i32>} : memref<2x80x64xi32, #tpu.memory_space<vmem>>, vector<16xi32>,
            %get3A_181 = arith.index_cast %rem3A_30 : i32 to index
            %get3A_182 = arith.index_cast %add3A_148 : i32 to index
            %get3A_183 = arith.constant 32 : index
            %get3A_184 = tpu.vector_load %arg12[%get3A_181, %get3A_182, %get3A_183] {strides = array<i32>} : memref<2x80x64xi32, #tpu.memory_space<vmem>>, vector<16xi32>,
            %bitcast3A_185 = vector.bitcast %get3A_180 : vector<16xi32> to vector<32xbf16>
            %bitcast3A_186 = vector.bitcast %get3A_184 : vector<16xi32> to vector<32xbf16>
            %mul3A_187 = arith.mulf %bitcast3A_185, %bitcast3A_186 : vector<32xbf16>
            %unpack3A_188 = tpu.unpack_subelements %mul3A_187, 0 {pack_format = #tpu.pack_format<interleaved>} : vector<32xbf16> -> vector<16xf32>
            %unpack3A_189 = tpu.unpack_subelements %mul3A_187, 1 {pack_format = #tpu.pack_format<interleaved>} : vector<32xbf16> -> vector<16xf32>
            %add3A_190 = arith.addf %unpack3A_188, %unpack3A_189 : vector<16xf32>
            %get3A_191 = arith.index_cast %rem3A_30 : i32 to index
            %get3A_192 = arith.index_cast %add3A_148 : i32 to index
            %get3A_193 = arith.constant 48 : index
            %get3A_194 = tpu.vector_load %arg11[%get3A_191, %get3A_192, %get3A_193] {strides = array<i32>} : memref<2x80x64xi32, #tpu.memory_space<vmem>>, vector<16xi32>,
            %get3A_195 = arith.index_cast %rem3A_30 : i32 to index
            %get3A_196 = arith.index_cast %add3A_148 : i32 to index
            %get3A_197 = arith.constant 48 : index
            %get3A_198 = tpu.vector_load %arg12[%get3A_195, %get3A_196, %get3A_197] {strides = array<i32>} : memref<2x80x64xi32, #tpu.memory_space<vmem>>, vector<16xi32>,
            %bitcast3A_199 = vector.bitcast %get3A_194 : vector<16xi32> to vector<32xbf16>
            %bitcast3A_200 = vector.bitcast %get3A_198 : vector<16xi32> to vector<32xbf16>
            %mul3A_201 = arith.mulf %bitcast3A_199, %bitcast3A_200 : vector<32xbf16>
            %unpack3A_202 = tpu.unpack_subelements %mul3A_201, 0 {pack_format = #tpu.pack_format<interleaved>} : vector<32xbf16> -> vector<16xf32>
            %unpack3A_203 = tpu.unpack_subelements %mul3A_201, 1 {pack_format = #tpu.pack_format<interleaved>} : vector<32xbf16> -> vector<16xf32>
            %add3A_204 = arith.addf %unpack3A_202, %unpack3A_203 : vector<16xf32>
            %add3A_205 = arith.addf %add3A_162, %add3A_176 : vector<16xf32>
            %add3A_206 = arith.addf %add3A_190, %add3A_204 : vector<16xf32>
            %add3A_207 = arith.addf %add3A_205, %add3A_206 : vector<16xf32>
            %reduce_sum3A_208 = arith.constant true
            %reduce_sum3A_209 = vector.broadcast %reduce_sum3A_208 : i1 to vector<16xi1>
            %reduce_sum3A_210 = tpu.scan <sum>, %add3A_207 masked %reduce_sum3A_209 : vector<16xf32>, vector<16xi1> -> vector<16xf32>
            %reduce_sum3A_211 = vector.extract %reduce_sum3A_210[15] : f32 from vector<16xf32>
            %eq3A_212 = vector.broadcast %add3A_147 : i32 to vector<16xi32>
            %eq3A_213 = arith.cmpi eq, %iota3A, %eq3A_212 : vector<16xi32>
            %broadcast_in_dim3A_214 = vector.broadcast %reduce_sum3A_211 : f32 to vector<16xf32>
            %select_n3A_215 = arith.select %eq3A_213, %broadcast_in_dim3A_214, %select_n3A : vector<16xi1>, vector<16xf32>
            %mul3A_216 = arith.constant 4 : i32
            %mul3A_217 = arith.muli %scan3A_75, %mul3A_216 : i32
            %add3A_218 = arith.constant 2 : i32
            %add3A_219 = arith.addi %mul3A_217, %add3A_218 : i32
            %add3A_220 = arith.addi %mul3A_64, %add3A_219 : i32
            %get3A_221 = arith.index_cast %rem3A_30 : i32 to index
            %get3A_222 = arith.index_cast %add3A_220 : i32 to index
            %get3A_223 = arith.constant 0 : index
            %get3A_224 = tpu.vector_load %arg11[%get3A_221, %get3A_222, %get3A_223] {strides = array<i32>} : memref<2x80x64xi32, #tpu.memory_space<vmem>>, vector<16xi32>,
            %get3A_225 = arith.index_cast %rem3A_30 : i32 to index
            %get3A_226 = arith.index_cast %add3A_220 : i32 to index
            %get3A_227 = arith.constant 0 : index
            %get3A_228 = tpu.vector_load %arg12[%get3A_225, %get3A_226, %get3A_227] {strides = array<i32>} : memref<2x80x64xi32, #tpu.memory_space<vmem>>, vector<16xi32>,
            %bitcast3A_229 = vector.bitcast %get3A_224 : vector<16xi32> to vector<32xbf16>
            %bitcast3A_230 = vector.bitcast %get3A_228 : vector<16xi32> to vector<32xbf16>
            %mul3A_231 = arith.mulf %bitcast3A_229, %bitcast3A_230 : vector<32xbf16>
            %unpack3A_232 = tpu.unpack_subelements %mul3A_231, 0 {pack_format = #tpu.pack_format<interleaved>} : vector<32xbf16> -> vector<16xf32>
            %unpack3A_233 = tpu.unpack_subelements %mul3A_231, 1 {pack_format = #tpu.pack_format<interleaved>} : vector<32xbf16> -> vector<16xf32>
            %add3A_234 = arith.addf %unpack3A_232, %unpack3A_233 : vector<16xf32>
            %get3A_235 = arith.index_cast %rem3A_30 : i32 to index
            %get3A_236 = arith.index_cast %add3A_220 : i32 to index
            %get3A_237 = arith.constant 16 : index
            %get3A_238 = tpu.vector_load %arg11[%get3A_235, %get3A_236, %get3A_237] {strides = array<i32>} : memref<2x80x64xi32, #tpu.memory_space<vmem>>, vector<16xi32>,
            %get3A_239 = arith.index_cast %rem3A_30 : i32 to index
            %get3A_240 = arith.index_cast %add3A_220 : i32 to index
            %get3A_241 = arith.constant 16 : index
            %get3A_242 = tpu.vector_load %arg12[%get3A_239, %get3A_240, %get3A_241] {strides = array<i32>} : memref<2x80x64xi32, #tpu.memory_space<vmem>>, vector<16xi32>,
            %bitcast3A_243 = vector.bitcast %get3A_238 : vector<16xi32> to vector<32xbf16>
            %bitcast3A_244 = vector.bitcast %get3A_242 : vector<16xi32> to vector<32xbf16>
            %mul3A_245 = arith.mulf %bitcast3A_243, %bitcast3A_244 : vector<32xbf16>
            %unpack3A_246 = tpu.unpack_subelements %mul3A_245, 0 {pack_format = #tpu.pack_format<interleaved>} : vector<32xbf16> -> vector<16xf32>
            %unpack3A_247 = tpu.unpack_subelements %mul3A_245, 1 {pack_format = #tpu.pack_format<interleaved>} : vector<32xbf16> -> vector<16xf32>
            %add3A_248 = arith.addf %unpack3A_246, %unpack3A_247 : vector<16xf32>
            %get3A_249 = arith.index_cast %rem3A_30 : i32 to index
            %get3A_250 = arith.index_cast %add3A_220 : i32 to index
            %get3A_251 = arith.constant 32 : index
            %get3A_252 = tpu.vector_load %arg11[%get3A_249, %get3A_250, %get3A_251] {strides = array<i32>} : memref<2x80x64xi32, #tpu.memory_space<vmem>>, vector<16xi32>,
            %get3A_253 = arith.index_cast %rem3A_30 : i32 to index
            %get3A_254 = arith.index_cast %add3A_220 : i32 to index
            %get3A_255 = arith.constant 32 : index
            %get3A_256 = tpu.vector_load %arg12[%get3A_253, %get3A_254, %get3A_255] {strides = array<i32>} : memref<2x80x64xi32, #tpu.memory_space<vmem>>, vector<16xi32>,
            %bitcast3A_257 = vector.bitcast %get3A_252 : vector<16xi32> to vector<32xbf16>
            %bitcast3A_258 = vector.bitcast %get3A_256 : vector<16xi32> to vector<32xbf16>
            %mul3A_259 = arith.mulf %bitcast3A_257, %bitcast3A_258 : vector<32xbf16>
            %unpack3A_260 = tpu.unpack_subelements %mul3A_259, 0 {pack_format = #tpu.pack_format<interleaved>} : vector<32xbf16> -> vector<16xf32>
            %unpack3A_261 = tpu.unpack_subelements %mul3A_259, 1 {pack_format = #tpu.pack_format<interleaved>} : vector<32xbf16> -> vector<16xf32>
            %add3A_262 = arith.addf %unpack3A_260, %unpack3A_261 : vector<16xf32>
            %get3A_263 = arith.index_cast %rem3A_30 : i32 to index
            %get3A_264 = arith.index_cast %add3A_220 : i32 to index
            %get3A_265 = arith.constant 48 : index
            %get3A_266 = tpu.vector_load %arg11[%get3A_263, %get3A_264, %get3A_265] {strides = array<i32>} : memref<2x80x64xi32, #tpu.memory_space<vmem>>, vector<16xi32>,
            %get3A_267 = arith.index_cast %rem3A_30 : i32 to index
            %get3A_268 = arith.index_cast %add3A_220 : i32 to index
            %get3A_269 = arith.constant 48 : index
            %get3A_270 = tpu.vector_load %arg12[%get3A_267, %get3A_268, %get3A_269] {strides = array<i32>} : memref<2x80x64xi32, #tpu.memory_space<vmem>>, vector<16xi32>,
            %bitcast3A_271 = vector.bitcast %get3A_266 : vector<16xi32> to vector<32xbf16>
            %bitcast3A_272 = vector.bitcast %get3A_270 : vector<16xi32> to vector<32xbf16>
            %mul3A_273 = arith.mulf %bitcast3A_271, %bitcast3A_272 : vector<32xbf16>
            %unpack3A_274 = tpu.unpack_subelements %mul3A_273, 0 {pack_format = #tpu.pack_format<interleaved>} : vector<32xbf16> -> vector<16xf32>
            %unpack3A_275 = tpu.unpack_subelements %mul3A_273, 1 {pack_format = #tpu.pack_format<interleaved>} : vector<32xbf16> -> vector<16xf32>
            %add3A_276 = arith.addf %unpack3A_274, %unpack3A_275 : vector<16xf32>
            %add3A_277 = arith.addf %add3A_234, %add3A_248 : vector<16xf32>
            %add3A_278 = arith.addf %add3A_262, %add3A_276 : vector<16xf32>
            %add3A_279 = arith.addf %add3A_277, %add3A_278 : vector<16xf32>
            %reduce_sum3A_280 = arith.constant true
            %reduce_sum3A_281 = vector.broadcast %reduce_sum3A_280 : i1 to vector<16xi1>
            %reduce_sum3A_282 = tpu.scan <sum>, %add3A_279 masked %reduce_sum3A_281 : vector<16xf32>, vector<16xi1> -> vector<16xf32>
            %reduce_sum3A_283 = vector.extract %reduce_sum3A_282[15] : f32 from vector<16xf32>
            %eq3A_284 = vector.broadcast %add3A_219 : i32 to vector<16xi32>
            %eq3A_285 = arith.cmpi eq, %iota3A, %eq3A_284 : vector<16xi32>
            %broadcast_in_dim3A_286 = vector.broadcast %reduce_sum3A_283 : f32 to vector<16xf32>
            %select_n3A_287 = arith.select %eq3A_285, %broadcast_in_dim3A_286, %select_n3A_215 : vector<16xi1>, vector<16xf32>
            %mul3A_288 = arith.constant 4 : i32
            %mul3A_289 = arith.muli %scan3A_75, %mul3A_288 : i32
            %add3A_290 = arith.constant 3 : i32
            %add3A_291 = arith.addi %mul3A_289, %add3A_290 : i32
            %add3A_292 = arith.addi %mul3A_64, %add3A_291 : i32
            %get3A_293 = arith.index_cast %rem3A_30 : i32 to index
            %get3A_294 = arith.index_cast %add3A_292 : i32 to index
            %get3A_295 = arith.constant 0 : index
            %get3A_296 = tpu.vector_load %arg11[%get3A_293, %get3A_294, %get3A_295] {strides = array<i32>} : memref<2x80x64xi32, #tpu.memory_space<vmem>>, vector<16xi32>,
            %get3A_297 = arith.index_cast %rem3A_30 : i32 to index
            %get3A_298 = arith.index_cast %add3A_292 : i32 to index
            %get3A_299 = arith.constant 0 : index
            %get3A_300 = tpu.vector_load %arg12[%get3A_297, %get3A_298, %get3A_299] {strides = array<i32>} : memref<2x80x64xi32, #tpu.memory_space<vmem>>, vector<16xi32>,
            %bitcast3A_301 = vector.bitcast %get3A_296 : vector<16xi32> to vector<32xbf16>
            %bitcast3A_302 = vector.bitcast %get3A_300 : vector<16xi32> to vector<32xbf16>
            %mul3A_303 = arith.mulf %bitcast3A_301, %bitcast3A_302 : vector<32xbf16>
            %unpack3A_304 = tpu.unpack_subelements %mul3A_303, 0 {pack_format = #tpu.pack_format<interleaved>} : vector<32xbf16> -> vector<16xf32>
            %unpack3A_305 = tpu.unpack_subelements %mul3A_303, 1 {pack_format = #tpu.pack_format<interleaved>} : vector<32xbf16> -> vector<16xf32>
            %add3A_306 = arith.addf %unpack3A_304, %unpack3A_305 : vector<16xf32>
            %get3A_307 = arith.index_cast %rem3A_30 : i32 to index
            %get3A_308 = arith.index_cast %add3A_292 : i32 to index
            %get3A_309 = arith.constant 16 : index
            %get3A_310 = tpu.vector_load %arg11[%get3A_307, %get3A_308, %get3A_309] {strides = array<i32>} : memref<2x80x64xi32, #tpu.memory_space<vmem>>, vector<16xi32>,
            %get3A_311 = arith.index_cast %rem3A_30 : i32 to index
            %get3A_312 = arith.index_cast %add3A_292 : i32 to index
            %get3A_313 = arith.constant 16 : index
            %get3A_314 = tpu.vector_load %arg12[%get3A_311, %get3A_312, %get3A_313] {strides = array<i32>} : memref<2x80x64xi32, #tpu.memory_space<vmem>>, vector<16xi32>,
            %bitcast3A_315 = vector.bitcast %get3A_310 : vector<16xi32> to vector<32xbf16>
            %bitcast3A_316 = vector.bitcast %get3A_314 : vector<16xi32> to vector<32xbf16>
            %mul3A_317 = arith.mulf %bitcast3A_315, %bitcast3A_316 : vector<32xbf16>
            %unpack3A_318 = tpu.unpack_subelements %mul3A_317, 0 {pack_format = #tpu.pack_format<interleaved>} : vector<32xbf16> -> vector<16xf32>
            %unpack3A_319 = tpu.unpack_subelements %mul3A_317, 1 {pack_format = #tpu.pack_format<interleaved>} : vector<32xbf16> -> vector<16xf32>
            %add3A_320 = arith.addf %unpack3A_318, %unpack3A_319 : vector<16xf32>
            %get3A_321 = arith.index_cast %rem3A_30 : i32 to index
            %get3A_322 = arith.index_cast %add3A_292 : i32 to index
            %get3A_323 = arith.constant 32 : index
            %get3A_324 = tpu.vector_load %arg11[%get3A_321, %get3A_322, %get3A_323] {strides = array<i32>} : memref<2x80x64xi32, #tpu.memory_space<vmem>>, vector<16xi32>,
            %get3A_325 = arith.index_cast %rem3A_30 : i32 to index
            %get3A_326 = arith.index_cast %add3A_292 : i32 to index
            %get3A_327 = arith.constant 32 : index
            %get3A_328 = tpu.vector_load %arg12[%get3A_325, %get3A_326, %get3A_327] {strides = array<i32>} : memref<2x80x64xi32, #tpu.memory_space<vmem>>, vector<16xi32>,
            %bitcast3A_329 = vector.bitcast %get3A_324 : vector<16xi32> to vector<32xbf16>
            %bitcast3A_330 = vector.bitcast %get3A_328 : vector<16xi32> to vector<32xbf16>
            %mul3A_331 = arith.mulf %bitcast3A_329, %bitcast3A_330 : vector<32xbf16>
            %unpack3A_332 = tpu.unpack_subelements %mul3A_331, 0 {pack_format = #tpu.pack_format<interleaved>} : vector<32xbf16> -> vector<16xf32>
            %unpack3A_333 = tpu.unpack_subelements %mul3A_331, 1 {pack_format = #tpu.pack_format<interleaved>} : vector<32xbf16> -> vector<16xf32>
            %add3A_334 = arith.addf %unpack3A_332, %unpack3A_333 : vector<16xf32>
            %get3A_335 = arith.index_cast %rem3A_30 : i32 to index
            %get3A_336 = arith.index_cast %add3A_292 : i32 to index
            %get3A_337 = arith.constant 48 : index
            %get3A_338 = tpu.vector_load %arg11[%get3A_335, %get3A_336, %get3A_337] {strides = array<i32>} : memref<2x80x64xi32, #tpu.memory_space<vmem>>, vector<16xi32>,
            %get3A_339 = arith.index_cast %rem3A_30 : i32 to index
            %get3A_340 = arith.index_cast %add3A_292 : i32 to index
            %get3A_341 = arith.constant 48 : index
            %get3A_342 = tpu.vector_load %arg12[%get3A_339, %get3A_340, %get3A_341] {strides = array<i32>} : memref<2x80x64xi32, #tpu.memory_space<vmem>>, vector<16xi32>,
            %bitcast3A_343 = vector.bitcast %get3A_338 : vector<16xi32> to vector<32xbf16>
            %bitcast3A_344 = vector.bitcast %get3A_342 : vector<16xi32> to vector<32xbf16>
            %mul3A_345 = arith.mulf %bitcast3A_343, %bitcast3A_344 : vector<32xbf16>
            %unpack3A_346 = tpu.unpack_subelements %mul3A_345, 0 {pack_format = #tpu.pack_format<interleaved>} : vector<32xbf16> -> vector<16xf32>
            %unpack3A_347 = tpu.unpack_subelements %mul3A_345, 1 {pack_format = #tpu.pack_format<interleaved>} : vector<32xbf16> -> vector<16xf32>
            %add3A_348 = arith.addf %unpack3A_346, %unpack3A_347 : vector<16xf32>
            %add3A_349 = arith.addf %add3A_306, %add3A_320 : vector<16xf32>
            %add3A_350 = arith.addf %add3A_334, %add3A_348 : vector<16xf32>
            %add3A_351 = arith.addf %add3A_349, %add3A_350 : vector<16xf32>
            %reduce_sum3A_352 = arith.constant true
            %reduce_sum3A_353 = vector.broadcast %reduce_sum3A_352 : i1 to vector<16xi1>
            %reduce_sum3A_354 = tpu.scan <sum>, %add3A_351 masked %reduce_sum3A_353 : vector<16xf32>, vector<16xi1> -> vector<16xf32>
            %reduce_sum3A_355 = vector.extract %reduce_sum3A_354[15] : f32 from vector<16xf32>
            %eq3A_356 = vector.broadcast %add3A_291 : i32 to vector<16xi32>
            %eq3A_357 = arith.cmpi eq, %iota3A, %eq3A_356 : vector<16xi32>
            %broadcast_in_dim3A_358 = vector.broadcast %reduce_sum3A_355 : f32 to vector<16xf32>
            %select_n3A_359 = arith.select %eq3A_357, %broadcast_in_dim3A_358, %select_n3A_287 : vector<16xi1>, vector<16xf32>
            scf.yield %select_n3A_359 : vector<16xf32>
          }
          %scan3A_71 = arith.constant 4 : i32
          %add3A_72 = arith.addi %mul3A_53, %mul3A_64 : i32
          %swap3A = arith.index_cast %add3A_72 : i32 to index
          %swap3A_73 = tpu.vector_load %arg13[%swap3A] {strides = array<i32>} : memref<10000xf32, #tpu.memory_space<vmem>>, vector<16xf32>,
          tpu.vector_store %arg13[%swap3A], %scan3A_70 {strides = array<i32>} : memref<10000xf32, #tpu.memory_space<vmem>>, vector<16xf32>,
          %scan3A_74 = arith.constant 0 : i32
          scf.yield %scan3A_74 : i32
        }
        %scan3A_60 = arith.constant 5 : i32
      } else {
      }
      %scan3A_28 = arith.constant 0 : i32
      scf.yield %scan3A_28 : i32
    }
    %scan3A_15 = arith.constant 126 : i32
    "tpu.region"() ({
      %run_scoped3A = tpu.sem_alloc : memref<!tpu.dma_semaphore, #tpu.memory_space<semaphore_mem>>
      %dma_start3A = tpu.memref_slice %arg6[%add3A_8] : memref<320000xf32, #tpu.memory_space<hbm>> -> memref<10000xf32, #tpu.memory_space<hbm>>
      %dma_start3A_18 = tpu.memref_slice %arg6[%add3A_8] : memref<320000xf32, #tpu.memory_space<hbm>> -> memref<10000xf32, #tpu.memory_space<hbm>>
      tpu.enqueue_dma source(%arg13 : memref<10000xf32, #tpu.memory_space<vmem>>) target(%dma_start3A_18 : memref<10000xf32, #tpu.memory_space<hbm>>) target_semaphore(%run_scoped3A : memref<!tpu.dma_semaphore, #tpu.memory_space<semaphore_mem>>)
      %dma_wait3A = tpu.memref_slice %arg6[%add3A_8] : memref<320000xf32, #tpu.memory_space<hbm>> -> memref<10000xf32, #tpu.memory_space<hbm>>
      %dma_wait3A_19 = tpu.memref_slice %arg6[%add3A_8] : memref<320000xf32, #tpu.memory_space<hbm>> -> memref<10000xf32, #tpu.memory_space<hbm>>
      tpu.wait_dma2 semaphore(%run_scoped3A : memref<!tpu.dma_semaphore, #tpu.memory_space<semaphore_mem>>) src(%arg13 : memref<10000xf32, #tpu.memory_space<vmem>>) dst(%dma_wait3A_19 : memref<10000xf32, #tpu.memory_space<hbm>>)
      tpu.yield
    }) : () -> ()
    %scan3A_16 = arith.constant 0 : i32
    %scan3A_17 = arith.constant 1 : i32
    return
  }
}

</mosaic_0001>

<sc_bundles>
// kernel: _run.3.cloned.1.call-start
scs
__scs_entry_jumppad:
0x0: {  	(pc) =	sbr.rel $0x88, $3  }
0x1: {  	(tag) =	ssettag $0x0;
	lr =	simm.s32 $0x1  }
0x2: {  	[smem:$0x3F9D] =	sst lr;
	_ =	strace $0xD0000000  }
0x3: {  	_ = 	snop  }
0x4: {  	_ = 	snop  }
0x5: {  	_ = 	snop  }
0x6: {  	_ = 	snop  }
0x7: {  	_ = 	snop  }
__scs_overlays_trampoline_lowered:
0x8: {  	[smem:$0x3FAC] =	sst s0  }
0x9: {  	[smem:$0x3FAD] =	sst s1  }
0xa: {  	[smem:$0x3FAE] =	sst s2  }
0xb: {  	[smem:$0x3FAF] =	sst s3  }
0xc: {  	[smem:$0x3FB0] =	sst s4  }
0xd: {  	[smem:$0x3FB1] =	sst s5  }
0xe: {  	[smem:$0x3FB2] =	sst s6  }
0xf: {  	[smem:$0x3FB3] =	sst s7  }
0x10: {  	[smem:$0x3FB4] =	sst s8  }
0x11: {  	[smem:$0x3FB5] =	sst s9;
	s0 =	simm.s32 @!p0 $0x0  }
0x12: {  	s1 =	sld [smem:$0x3F9B];
	s0 =	simm.s32 @p0 $0x1  }
0x13: {  	[smem:$0x3FB6] =	sst s0;
	s0 =	simm.s32 @!p1 $0x0  }
0x14: {  	s2 =	sld [smem:$0x3F9A];
	s0 =	simm.s32 @p1 $0x1  }
0x15: {  	[smem:$0x3FB7] =	sst s0;
	s0 =	simm.s32 @!p2 $0x0  }
0x16: {  	s3 =	sld [smem:$0x3FDB];
	s0 =	simm.s32 @p2 $0x1  }
0x17: {  	s4 =	simm.s32 $0x1BF5;
	[smem:$0x3FB9] =	sst s0  }
0x18: {  	s0 =	sld [smem:$0x3F9C];
	_ =	swait.ge [sflag:s4], $0x0  }
0x19: {  	s7 =	sld [smem:$0x3F9D]  }
0x1a: {  	s8 =	sadd.s32 $0xFFFFE003, lr  }
0x1b: {  	s9 =	sadd.s32 $0xFFFFFEF7, lr;
	s5 =	simm.s32 $0xFFFFFFFF;
	p2 =	slt.u32 s8, $0xFFFFF086  }
0x1c: {  	p1 =	slt.u32 s9, $0xF7A;
	s5 =	simm.s32 @!p2 $0x0  }
0x1d: {  	s5 =	simm.s32 @p1 $0x1;
	p0 =	seq.s32 s7, s2  }
0x1e: {  	s7 =	smul.u32 @!p0 $0xF7A, s2;
	p2 =	seq.s32 @!p0 s5, $0x0  }
0x1f: {  	s9 =	smul.u32 $0xF7A, s1;
	s8 =	simm.s32 @!p0 $0x1BF5;
	p2 =	por !p2, p0  }
0x20: {  	[sflag:s8] =	ssyncset.s32 @!p0 $0xFFFFF086;
	s6 =	sadd.s32 @!p0 s3, s7;
	s7 =	simm.s32 @!p0 $0x108  }
0x21: {  	s3 =	sadd.s32 s3, s9;
	s6 =	sadd.s32 @!p0 $0x88, s6;
	s7 =	simm.s32 @p2 $0x1082  }
0x22: {  	[simem:s7], [sflag:s8] =	dma.local @!p0 [hbm:s6], $0xF7A  }
0x23: {  	s9 =	sor.u32 $0xD0000000, s2;
	s6 =	simm.s32 $0x108;
	_ =	swait.ge @!p0 [sflag:s8], $0x0  }
0x24: {  	s3 =	sadd.s32 $0x88, s3;
	s6 =	simm.s32 @!p1 $0x1082;
	[sflag:s4] =	ssyncset.s32 $0xFFFFF086  }
0x25: {  	[simem:s6], [sflag:s4] =	dma.local [hbm:s3], $0xF7A  }
0x26: {  	[smem:$0x3F9D] =	sst s1;
	(tag) =	ssettag s2;
	_ =	strace s9  }
0x27: {  	s1 =	sld [smem:$0x3FAD]  }
0x28: {  	s2 =	sld [smem:$0x3FAE]  }
0x29: {  	s4 =	sld [smem:$0x3FB0]  }
0x2a: {  	p0 =	seq.s32 s5, $0x0;
	s5 =	sld [smem:$0x3FB1]  }
0x2b: {  	s6 =	sld [smem:$0x3FB2]  }
0x2c: {  	s7 =	sld [smem:$0x3FB3]  }
0x2d: {  	s3 =	simm.s32 $0x108;
	s8 =	sld [smem:$0x3FB4]  }
0x2e: {  	s3 =	simm.s32 @!p0 $0x1082;
	s9 =	sld [smem:$0x3FB5]  }
0x2f: {  	lr =	sadd.s32 s0, s3;
	s0 =	sld [smem:$0x3FAC]  }
0x30: {  	s3 =	sld [smem:$0x3FAF]  }
0x31: {  	[smem:$0x3FB8] =	sst s10  }
0x32: {  	s10 =	sld [smem:$0x3FB6];
	_ =	sdelay $0x3  }
0x33: {  	p0 =	seq.s32 s10, $0x1;
	s10 =	sld [smem:$0x3FB8];
	_ =	sdelay $0x3  }
0x34: {  	[smem:$0x3FB8] =	sst s10  }
0x35: {  	s10 =	sld [smem:$0x3FB7];
	_ =	sdelay $0x3  }
0x36: {  	p1 =	seq.s32 s10, $0x1;
	s10 =	sld [smem:$0x3FB8];
	_ =	sdelay $0x3  }
0x37: {  	[smem:$0x3FB8] =	sst s10  }
0x38: {  	s10 =	sld [smem:$0x3FB9]  }
0x39: {  	_ = 	snop;
	(pc) =	sbr.ind lr, $3  }
0x3a: {  	_ = 	snop  }
0x3b: {  	_ = 	snop  }
0x3c: {  	p2 =	seq.s32 s10, $0x1;
	s10 =	sld [smem:$0x3FB8]  }
0x3d: {  	_ =	shalt  }
0x3e: {  	_ =	shalt  }
0x3f: {  	_ =	shalt  }
0x40: {  	_ =	shalt  }
0x41: {  	_ =	shalt  }
0x42: {  	_ =	shalt  }
0x43: {  	_ =	shalt  }
0x44: {  	_ =	shalt  }
0x45: {  	_ =	shalt  }
0x46: {  	_ =	shalt  }
0x47: {  	_ =	shalt  }
0x48: {  	_ =	shalt  }
0x49: {  	_ =	shalt  }
0x4a: {  	_ =	shalt  }
0x4b: {  	_ =	shalt  }
0x4c: {  	_ =	shalt  }
0x4d: {  	_ =	shalt  }
0x4e: {  	_ =	shalt  }
0x4f: {  	_ =	shalt  }
0x50: {  	_ =	shalt  }
0x51: {  	_ =	shalt  }
0x52: {  	_ =	shalt  }
0x53: {  	_ =	shalt  }
0x54: {  	_ =	shalt  }
0x55: {  	_ =	shalt  }
0x56: {  	_ =	shalt  }
0x57: {  	_ =	shalt  }
0x58: {  	_ =	shalt  }
0x59: {  	_ =	shalt  }
0x5a: {  	_ =	shalt  }
0x5b: {  	_ =	shalt  }
0x5c: {  	_ =	shalt  }
0x5d: {  	_ =	shalt  }
0x5e: {  	_ =	shalt  }
0x5f: {  	_ =	shalt  }
0x60: {  	_ =	shalt  }
0x61: {  	_ =	shalt  }
0x62: {  	_ =	shalt  }
0x63: {  	_ =	shalt  }
0x64: {  	_ =	shalt  }
0x65: {  	_ =	shalt  }
0x66: {  	_ =	shalt  }
0x67: {  	_ =	shalt  }
0x68: {  	_ =	shalt  }
0x69: {  	_ =	shalt  }
0x6a: {  	_ =	shalt  }
0x6b: {  	_ =	shalt  }
0x6c: {  	_ =	shalt  }
0x6d: {  	_ =	shalt  }
0x6e: {  	_ =	shalt  }
0x6f: {  	_ =	shalt  }
0x70: {  	_ =	shalt  }
0x71: {  	_ =	shalt  }
0x72: {  	_ =	shalt  }
0x73: {  	_ =	shalt  }
0x74: {  	_ =	shalt  }
0x75: {  	_ =	shalt  }
0x76: {  	_ =	shalt  }
0x77: {  	_ =	shalt  }
0x78: {  	_ =	shalt  }
0x79: {  	_ =	shalt  }
0x7a: {  	_ =	shalt  }
0x7b: {  	_ =	shalt  }
0x7c: {  	_ =	shalt  }
0x7d: {  	_ =	shalt  }
0x7e: {  	_ =	shalt  }
0x7f: {  	_ =	shalt  }
0x80: {  	_ =	shalt  }
0x81: {  	_ =	shalt  }
0x82: {  	_ =	shalt  }
0x83: {  	_ =	shalt  }
0x84: {  	_ =	shalt  }
0x85: {  	_ =	shalt  }
0x86: {  	_ =	shalt  }
0x87: {  	_ =	shalt  }
.Lfunc_end0:
.L_simem_size_0:
called_computation_lowered:
.L_overlay_start_0:
0x88: {  	s2 =	sld [smem:$0x3FD9]  }
0x89: {  	s3 =	sld [smem:$0x3FFE];
	_ =	sdelay $0x1  }
0x8a: {  	s1 =	srdreg.scid  }
0x8b: {  	s0 =	sand.u32 $0x1, s1  }
0x8c: {  	s17 =	sshll.u32 s0, $0xA;
	s2 =	sadd.s32 s3, s2  }
0x8d: {  	s2 =	sadd.s32 s2, s17  }
0x8e: {  	[smem:$0x3FC4] =	sst s2  }
0x8f: {  	_ = 	snop  }
0x90: {  	s2 =	sld [smem:$0x3FC7]  }
0x91: {  	s18 =	sld [smem:$0x3FC6]  }
0x92: {  	s4 =	sld [smem:$0x3FD0];
	(tm) =	ssettm $0x1  }
0x93: {  	s5 =	sld [smem:$0x3FFB];
	_ =	sdelay $0x3  }
0x94: {  	_ =	strace s5  }
0x95: {  	s5 =	sld [smem:$0x3FFC];
	_ =	sdelay $0x3  }
0x96: {  	_ =	strace s5  }
0x97: {  	s5 =	sld [smem:$0x3FFD];
	_ =	sdelay $0x3  }
0x98: {  	_ =	strace s5  }
0x99: {  	_ =	strace $0x8FFFFFFF  }
0x9a: {  	s19 =	sld [smem:$0x3FDB];
	_ =	sdelay $0x1  }
0x9b: {  	s6 =	simm.s32 $_scs_section_size  }
0x9c: {  	s7 =	simm.s32 $_size__tile_overlayer_lowered;
	s8 =	simm.s32 $_tile_overlayer_lowered  }
0x9d: {  	s22 =	simm.s32 $0x1BFF;
	s21 =	sshll.u32 s8, $0x1;
	s5 =	sadd.s32 s6, s19  }
0x9e: {  	s9 =	simm.s32 $0x0;
	s20 =	sshll.u32 s7, $0x1;
	s7 =	sadd.s32 s21, s5  }
0x9f: {  	[timem:s9], [sflag:s22] =	dma.local [hbm:s7], s20  }
0xa0: {  	_ =	swait.ge [sflag:s22], s20  }
0xa1: {  	s6 =	ssub.s32 $0x0, s20;
	[sflag:s22] =	ssyncset.done $0x0  }
0xa2: {  	[sflag:s22] =	ssyncadd.s32 s6;
	_ =	sdelay $0x1  }
0xa3: {  	s23 =	simm.s32 $0x1B8B  }
0xa4: {  	_ =	swait.ge [sflag:s23], $0x1  }
0xa5: {  	[sflag:s23] =	ssyncset.done $0x0  }
0xa6: {  	s25 =	simm.s32 $0x1B8E;
	s24 =	sld [smem:$0x3FFE];
	[sflag:s23] =	ssyncadd.s32 $0xFFFFFFFF  }
0xa7: {  	s26 =	simm.s32 $execute0_lowered;
	[smem:$0x3FD2] =	sst s25  }
0xa8: {  	s7 =	sshll.u32 s26, $0x1;
	_ =	strace $0x80000046;
	[dreg:$0x1] =	wrdreg $0xFFFFFFFF  }
0xa9: {  	s28 =	simm.s32 $_size_execute0_lowered;
	s5 =	sadd.s32 s5, s7;
	[dreg:$0x0] =	wrdreg $0x0  }
0xaa: {  	s7 =	sshll.u32 s28, $0x1;
	[dreg:$0x2] =	wrdreg s5  }
0xab: {  	[dreg:$0x3] =	wrdreg s7  }
0xac: {  	[dreg:$0x4] =	wrdreg $0xC0  }
0xad: {  	_ =	task [dreg:s9], $0x5FFFF  }
0xae: {  	[dreg:$0x1] =	wrdreg $0xFFFFFFFF  }
0xaf: {  	[dreg:$0x0] =	wrdreg $0x60  }
0xb0: {  	[dreg:$0x2] =	wrdreg s24  }
0xb1: {  	[dreg:$0x3] =	wrdreg s2  }
0xb2: {  	[dreg:$0x4] =	wrdreg s18  }
0xb3: {  	[dreg:$0x5] =	wrdreg s4  }
0xb4: {  	[dreg:$0x6] =	wrdreg $0x0  }
0xb5: {  	[dreg:$0x7] =	wrdreg $0x9C400  }
0xb6: {  	[dreg:$0x8] =	wrdreg $0x9  }
0xb7: {  	_ =	task.clear_ibuf [dreg:s9], $0x9FFFF;
	_ =	strace $0x90000046  }
0xb8: {  	s29 =	simm.s32 $0x9;
	_ =	strace $0x80000048  }
0xb9: {  	_ =	swait.ge [sflag:s29], $0x1  }
0xba: {  	[sflag:s29] =	ssyncadd.s32 $0xFFFFFFFF  }
0xbb: {  	_ =	strace $0x90000048  }
0xbc: {  	_ =	sfence  }
0xbd: {  	s30 =	sld [smem:$0x0];
	_ =	sdelay $0x2  }
0xbe: {  	s31 =	sshll.u32 s1, $0xD;
	s1 =	sshrl.u32 s1, $0x2  }
0xbf: {  	s3 =	sand.u32 $0x4000, s31;
	s1 =	sadd.s32 s1, s30  }
0xc0: {  	s0 =	sor.u32 s3, s0;
	s1 =	sshll.u32 s1, $0x11  }
0xc1: {  	s0 =	sor.u32 s1, s0  }
0xc2: {  	s0 =	sadd.s32 $0x8F2B, s0  }
0xc3: {  	[sflag:s0] =	ssyncadd.remote.s32 $0x1  }
0xc4: {  	_ =	sfence.sel $0xFFFF  }
0xc5: {  	[dreg:$0x0] =	wrdreg $0xFFFFFFFF;
	(pc) =	sbr.abs _section_cstart, $3  }
0xc6: {  	[dreg:$0x1] =	wrdreg $0xFFFFFFFF  }
0xc7: {  	_ =	task.clear_ibuf [dreg:s9], $0x2FFFF;
	_ =	strace $0x9FFFFFFF  }
0xc8: {  	(tm) =	ssettm $0x7FFFFFFF  }
0xc9: {  	_ =	shalt  }
tec
execute0_lowered:
.L_overlay_start_1:
0x0: {  	(tag) =	ssettag $0x1  }
0x1: {  	s5 =	rddreg [dreg:$0x0]  }
0x2: {  	s6 =	rddreg [dreg:$0x1]  }
0x3: {  	s7 =	rddreg [dreg:$0x2]  }
0x4: {  	s8 =	rddreg [dreg:$0x3]  }
0x5: {  	s1 =	rddreg [dreg:$0x4]  }
0x6: {  	s2 =	rddreg [dreg:$0x5]  }
0x7: {  	s0 =	rddreg [dreg:$0x6]  }
0x8: {  	s4 =	srdreg.scid;
	s9 =	stileid.u32;
	s3 =	simm.s32 $0x0  }
0x9: {  	s13 =	simm.s32 $0x3;
	s14 =	simm.s32 $0x15F90;
	s15 =	simm.s32 $0x1D6A0  }
0xa: {  	s16 =	simm.s32 $0x0;
	s4 =	sand.u32 $0x1, s4;
	s10 =	sshll.u32 s9, $0x1  }
0xb: {  	[smem:$0x7FF] =	sst s3;
	p0 =	sne.s32 s9, $0x0;
	s11 =	ssub.s32 $0x2, s4  }
.Ltmp0:
0xc: {  	s4 =	sor.u32 s4, s10;
	_ =	strace $0x80000047;
	(pc) =	sbr.rel .LBB2_1-.Ltmp0, $4  }
0xd: {  	s31 =	sshrl.u32 s11, $0x1;
	s12 =	smul.u32 $0x4E2, s4;
	s4 =	sadd.s32 $0x600, s5  }
0xe: {  	s5 =	sadd.s32 $0x14000, s5;
	s10 =	ssub.s32 s11, s31;
	s11 =	sshrl.u32 @!p0 s2, $0x3  }
0xf: {  	s6 =	sadd.s32 s6, s12;
	s7 =	sadd.s32 s7, s12;
	s8 =	sadd.s32 s8, s12  }
0x10: {  	v0 =	vlaneseq.u32;
	s9 =	smax.u32 s10, $0x1;
	s10 =	sshrl.u32 @!p0 s1, $0x3;
	s12 =	simm.s32 $0x13880  }
.LBB2_8:
0x11: {  	s16 =	sadd.s32 $0x1, s16  }
0x12: {  	p1 =	sne.s32 s16, s9  }
.Ltmp1:
0x13: {  	_ = 	snop;
	(pc) =	sbr.rel @!p1 .LBB2_9-.Ltmp1, $4  }
0x14: {  	[hbm4b:s8+s3] =	stream.linear.scatter [tilespmem:s15], [sflag:$0x3], $0x2710, $0x38;
	[tilespmem:$0x1FDB0] =	vst v63  }
0x15: {  	_ =	swait.ge [sflag:s13], $0x2710  }
0x16: {  	[sflag:s13] =	ssyncset.done $0x0  }
0x17: {  	[sflag:s13] =	ssyncadd.s32 $0xFFFFD8F0  }
.LBB2_1:
0x18: {  	s17 =	simm.s32 @!p0 $0x1C03;
	s18 =	simm.s32 @!p0 $0x3  }
0x19: {  	[spmem:s10], [sflag:s17] =	dma.local @!p0 [hbm:s4], $0x13880  }
0x1a: {  	_ =	swait.ge @!p0 [sflag:s18], $0x13880  }
0x1b: {  	[sflag:s18] =	ssyncset.done @!p0 $0x0  }
0x1c: {  	[sflag:s18] =	ssyncadd.s32 @!p0 $0xFFFEC780  }
0x1d: {  	[spmem:s11], [sflag:s17] =	dma.local @!p0 [hbm:s5], $0x13880  }
0x1e: {  	_ =	swait.ge @!p0 [sflag:s18], $0x13880  }
0x1f: {  	[sflag:s18] =	ssyncset.done @!p0 $0x0  }
0x20: {  	[sflag:s18] =	ssyncadd.s32 @!p0 $0xFFFEC780  }
0x21: {  	[bflag:$0x0] =	sbarrier.arrive $0xFFFF  }
0x22: {  	[tilespmem:s12], [sflag:$0x3] =	stream.linear.gather [hbm4b:s6+s3], $0x2710, $0x38;
	[tilespmem:$0x1FDB0] =	vst v63  }
0x23: {  	_ =	swait.ge [sflag:s13], $0x2710  }
0x24: {  	[sflag:s13] =	ssyncset.done $0x0  }
.Ltmp2:
0x25: {  	[sflag:s13] =	ssyncadd.s32 $0xFFFFD8F0;
	(pc) =	sbr.rel .LBB2_2-.Ltmp2, $4  }
0x26: {  	[tilespmem:s14], [sflag:$0x3] =	stream.linear.gather [hbm4b:s7+s3], $0x2710, $0x38;
	[tilespmem:$0x1FDB0] =	vst v63  }
0x27: {  	_ =	swait.ge [sflag:s13], $0x2710  }
0x28: {  	[sflag:s13] =	ssyncset.done $0x0  }
0x29: {  	p1 =	por $0x1, $0x1;
	s17 =	simm.s32 $0x0;
	[sflag:s13] =	ssyncadd.s32 $0xFFFFD8F0  }
.LBB2_7:
0x2a: {  	s17 =	sadd.s32 $0x1, s17  }
0x2b: {  	p2 =	sne.s32 s17, $0x7E  }
.Ltmp3:
0x2c: {  	_ = 	snop;
	(pc) =	sbr.rel @!p2 .LBB2_8-.Ltmp3, $2  }
0x2d: {  	_ =	sdelay $0x2  }
0x2e: {  	p1 =	por !p1, !p1  }
.LBB2_2:
0x2f: {  	p2 =	seq.s32 s17, $0x7D  }
0x30: {  	s18 =	sand.u32 @!p2 $0x1, s17;
	s20 =	smul.u32 @!p2 $0x50, s17  }
0x31: {  	s19 =	smul.u32 @!p2 $0x1400, s18  }
0x32: {  	s23 =	simm.s32 @!p2 $0x50  }
0x33: {  	s18 =	sadd.s32 @!p2 $0x1, s18;
	s22 =	sadd.s32 @!p2 $0x13880, s20;
	s21 =	sadd.s32 @!p2 $0x186A0, s19  }
0x34: {  	[tilespmem:s21], [sflag:s18] =	stream.indirect.gather @!p2 [spmem:s1], $0x40, s22, s23, $0xb8;
	[tilespmem:$0x1FDB0] =	vst v63  }
0x35: {  	p3 =	seq.s32 @!p2 s17, $0x0;
	s20 =	sadd.s32 @!p2 $0x15F90, s20;
	s19 =	sadd.s32 @!p2 $0x1AEA0, s19  }
0x36: {  	[tilespmem:s19], [sflag:s18] =	stream.indirect.gather @!p2 [spmem:s2], $0x40, s20, s23, $0xb8;
	[tilespmem:$0x1FDB0] =	vst v63  }
0x37: {  	p2 =	por p2, !p3  }
.Ltmp4:
0x38: {  	_ = 	snop;
	(pc) =	sbr.rel @!p2 .LBB2_7-.Ltmp4, $1  }
0x39: {  	_ =	sdelay $0x3  }
0x3a: {  	s18 =	sadd.s32 $0xFFFFFFFF, s17  }
0x3b: {  	s20 =	sand.u32 $0x1, s18  }
0x3c: {  	s19 =	simm.s32 $0x1;
	s20 =	sadd.s32 $0x1, s20  }
0x3d: {  	s19 =	simm.s32 @!p1 $0x0;
	s18 =	smul.u32 $0x140, s18;
	_ =	swait.ge [sflag:s20], $0x1400  }
0x3e: {  	s19 =	smul.u32 $0x5000, s19;
	[sflag:s20] =	ssyncset.done $0x0  }
0x3f: {  	[sflag:s20] =	ssyncadd.s32 $0xFFFFEC00  }
0x40: {  	s21 =	sshra.s32 s18, $0x2;
	s19 =	sshrl.u32 s19, $0x2;
	_ =	swait.ge [sflag:s20], $0x1400  }
0x41: {  	s21 =	sadd.s32 $0x1D6A0, s21;
	s18 =	sadd.s32 $0x18720, s19;
	[sflag:s20] =	ssyncset.done $0x0  }
0x42: {  	s19 =	sadd.s32 $0x1AF20, s19;
	v1 =	vmov s21;
	[sflag:s20] =	ssyncadd.s32 $0xFFFFEC00;
	s20 =	simm.s32 $0x0  }
.LBB2_4:
0x43: {  	v3 =	vld [tilespmem:s18+$0xFFFFFF90]  }
0x44: {  	v4 =	vld [tilespmem:s19+$0xFFFFFFE0]  }
0x45: {  	v5 =	vld [tilespmem:s19+$0xFFFFFFD0]  }
0x46: {  	v7 =	vld [tilespmem:s18+$0xFFFFFFC0]  }
0x47: {  	v8 =	vld [tilespmem:s19+$0xFFFFFFC0]  }
0x48: {  	v6 =	vld [tilespmem:s19+$0xFFFFFFB0]  }
0x49: {  	v9 =	vld [tilespmem:s18+$0xFFFFFFB0]  }
0x4a: {  	v10 =	vld [tilespmem:s19+$0xFFFFFFA0]  }
0x4b: {  	v11 =	vld [tilespmem:s18+$0xFFFFFFA0]  }
0x4c: {  	v12 =	vld [tilespmem:s18+$0xFFFFFF80]  }
0x4d: {  	v13 =	vld [tilespmem:s19+$0xFFFFFF90]  }
0x4e: {  	v14 =	vld [tilespmem:s19+$0xFFFFFF80]  }
0x4f: {  	v15 =	vld [tilespmem:s18+$0xFFFFFFE0]  }
0x50: {  	v16 =	vld [tilespmem:s18+$0xFFFFFFD0]  }
0x51: {  	v17 =	vld [tilespmem:s18+$0xFFFFFFF0]  }
0x52: {  	v18 =	vld [tilespmem:s19+$0xFFFFFFF0];
	s21 =	simm.s32 $0x1  }
0x53: {  	v19 =	vld [tilespmem:s18+$0x10];
	v20 =	vmov s21  }
0x54: {  	v2 =	vimm.f32 $0.0e+00;
	v21 =	vld [tilespmem:s19+$0x0];
	vm0 =	veq.s32 v20, v0  }
0x55: {  	v23 =	vld [tilespmem:s19+$0x20];
	vm0 =	vmmov vm0;
	v9 =	vmul.bf16 v6, v9;
	v8 =	vmul.bf16 v8, v7  }
0x56: {  	s22 =	simm.s32 $0x0;
	v26 =	vld [tilespmem:s19+$0x40];
	vm1 =	vmmov vm0;
	v10 =	vmul.bf16 v10, v11;
	v12 =	vmul.bf16 v14, v12  }
0x57: {  	s28 =	simm.s32 $0x2;
	v51 =	vld [tilespmem:s18+$0x30];
	v6 =	vmov s22;
	v3 =	vmul.bf16 v13, v3;
	v4 =	vmul.bf16 v4, v15  }
0x58: {  	s25 =	sadd.s32 $0x100, s18;
	v20 =	vld [tilespmem:s18+$0x0];
	v7 =	vmov s28;
	v5 =	vmul.bf16 v5, v16;
	v17 =	vmul.bf16 v18, v17  }
0x59: {  	v54 =	vld [tilespmem:s25+$0xFFFFFFB0];
	vm3 =	veq.s32 v7, v0;
	v22 =	vunpack.i.l.bf16.f32 v9;
	v9 =	vunpack.i.u.bf16.f32 v9  }
0x5a: {  	v57 =	vld [tilespmem:s25+$0xFFFFFFA0];
	v11 =	vunpack.i.u.bf16.f32 v8;
	v8 =	vunpack.i.l.bf16.f32 v8;
	v14 =	vunpack.i.u.bf16.f32 v10  }
0x5b: {  	v61 =	vld [tilespmem:s25+$0x20];
	v10 =	vunpack.i.l.bf16.f32 v10;
	v24 =	vunpack.i.u.bf16.f32 v12;
	v12 =	vunpack.i.l.bf16.f32 v12  }
0x5c: {  	v63 =	vld [tilespmem:s25+$0x60];
	v16 =	vunpack.i.l.bf16.f32 v3;
	v25 =	vunpack.i.l.bf16.f32 v4;
	v4 =	vunpack.i.u.bf16.f32 v4  }
0x5d: {  	v13 =	vld [tilespmem:s19+$0x10];
	v3 =	vunpack.i.u.bf16.f32 v3;
	v20 =	vmul.bf16 v21, v20;
	v48 =	vunpack.i.l.bf16.f32 v17  }
0x5e: {  	v15 =	vld [tilespmem:s19+$0x70];
	v49 =	vunpack.i.l.bf16.f32 v5;
	v9 =	vadd.f32 v22, v9;
	v10 =	vadd.f32 v10, v14  }
0x5f: {  	v18 =	vld [tilespmem:s18+$0x60];
	v17 =	vunpack.i.u.bf16.f32 v17;
	v8 =	vadd.f32 v8, v11;
	v4 =	vadd.f32 v25, v4  }
0x60: {  	v5 =	vunpack.i.u.bf16.f32 v5;
	v22 =	vld [tilespmem:s18+$0x20];
	v3 =	vadd.f32 v16, v3;
	v16 =	vadd.f32 v48, v17  }
0x61: {  	vm4 =	veq.s32 v6, v0;
	v11 =	vld [tilespmem:s18+$0x70];
	v12 =	vadd.f32 v12, v24;
	v5 =	vadd.f32 v49, v5  }
0x62: {  	v14 =	vld [tilespmem:s19+$0x60];
	v27 =	vunpack.i.u.bf16.f32 v20;
	v13 =	vmul.bf16 v13, v19;
	v4 =	vadd.f32 v16, v4  }
0x63: {  	v17 =	vld [tilespmem:s19+$0x30];
	v20 =	vunpack.i.l.bf16.f32 v20;
	v12 =	vadd.f32 v3, v12;
	v3 =	vadd.f32 v5, v8  }
0x64: {  	s29 =	simm.s32 $0x5;
	v21 =	vld [tilespmem:s18+$0x50];
	v9 =	vadd.f32 v9, v10;
	v20 =	vadd.f32 v20, v27;
	v50 =	vunpack.i.u.bf16.f32 v13  }
0x65: {  	s23 =	simm.s32 $0x4;
	s21 =	sadd.s32 $0x100, s19;
	v10 =	vld [tilespmem:s19+$0x50];
	v13 =	vunpack.i.l.bf16.f32 v13;
	v28 =	vadd.f32 v4, v3;
	v3 =	vmov s29  }
0x66: {  	v56 =	vld [tilespmem:s21+$0xFFFFFFA0];
	v4 =	vmov s23;
	v11 =	vmul.bf16 v15, v11;
	v15 =	vmul.bf16 v23, v22  }
0x67: {  	v19 =	vld [tilespmem:s18+$0x40];
	v9 =	vadd.f32 v9, v12;
	v13 =	vadd.f32 v13, v50;
	v14 =	vmul.bf16 v14, v18  }
0x68: {  	v58 =	vld [tilespmem:s21+$0xFFFFFF80];
	v17 =	vmul.bf16 v17, v51;
	vm2 =	veq.s32 v3, v0;
	v5 =	vunpack.i.l.bf16.f32 v15  }
0x69: {  	v22 =	vld [tilespmem:s25+$0xFFFFFF90];
	v15 =	vunpack.i.u.bf16.f32 v15;
	v13 =	vadd.f32 v13, v20;
	v18 =	vunpack.i.l.bf16.f32 v14  }
0x6a: {  	v23 =	vld [tilespmem:s21+$0xFFFFFFB0];
	v10 =	vmul.bf16 v10, v21;
	v21 =	vunpack.i.u.bf16.f32 v11;
	v11 =	vunpack.i.l.bf16.f32 v11  }
0x6b: {  	v20 =	vld [tilespmem:s25+$0xFFFFFFC0];
	v55 =	vunpack.i.u.bf16.f32 v17;
	v17 =	vunpack.i.l.bf16.f32 v17;
	v14 =	vunpack.i.u.bf16.f32 v14  }
0x6c: {  	s30 =	simm.s32 $0x6;
	v5 =	vadd.f32 v5, v15;
	v15 =	vmul.bf16 v26, v19;
	v19 =	vld [tilespmem:s21+$0xFFFFFFC0];
	v17 =	vadd.f32 v17, v55  }
0x6d: {  	v3 =	vmov s30;
	v14 =	vadd.f32 v18, v14;
	v18 =	vld [tilespmem:s25+$0xFFFFFF80];
	v11 =	vadd.f32 v11, v21  }
0x6e: {  	v21 =	vld [tilespmem:s21+$0xFFFFFF90];
	v53 =	vunpack.i.u.bf16.f32 v10;
	v10 =	vunpack.i.l.bf16.f32 v10;
	v52 =	vunpack.i.u.bf16.f32 v15  }
0x6f: {  	v16 =	vld [tilespmem:s21+$0xFFFFFFE0];
	v15 =	vunpack.i.l.bf16.f32 v15;
	v23 =	vmul.bf16 v23, v54;
	v5 =	vadd.f32 v17, v5  }
0x70: {  	v8 =	vld [tilespmem:s21+$0xFFFFFFD0];
	vm0 =	vmmov vm2;
	v10 =	vadd.f32 v10, v53;
	v15 =	vadd.f32 v15, v52  }
0x71: {  	v11 =	vadd.f32 v11, v14;
	v14 =	vld [tilespmem:s25+$0xFFFFFFE0];
	v12 =	vunpack.i.l.bf16.f32 v23;
	v5 =	vadd.f32 v5, v13  }
0x72: {  	v17 =	vld [tilespmem:s25+$0xFFFFFFD0];
	v13 =	vmul.bf16 v56, v57;
	v10 =	vadd.f32 v10, v15;
	v15 =	vmul.bf16 v19, v20  }
0x73: {  	v19 =	vunpack.i.u.bf16.f32 v23;
	v20 =	vld [tilespmem:s25+$0xFFFFFFF0];
	v18 =	vmul.bf16 v58, v18;
	v21 =	vmul.bf16 v21, v22  }
0x74: {  	(xrf2) =	vadd.scan.msk.f32 $0xffff, v28;
	v23 =	vunpack.i.u.bf16.f32 v13;
	v10 =	vadd.f32 v11, v10;
	v11 =	vadd.f32 v12, v19;
	v19 =	vld [tilespmem:s21+$0xFFFFFFF0]  }
0x75: {  	v59 =	vld [tilespmem:s21+$0x0];
	v13 =	vunpack.i.l.bf16.f32 v13;
	v12 =	vunpack.i.u.bf16.f32 v15;
	v15 =	vunpack.i.l.bf16.f32 v15  }
0x76: {  	(xrf2) =	vadd.scan.msk.f32 $0xffff, v5;
	v14 =	vmul.bf16 v16, v14;
	v16 =	vunpack.i.u.bf16.f32 v18;
	v13 =	vadd.f32 v13, v23;
	v23 =	vld [tilespmem:s25+$0x0]  }
0x77: {  	v60 =	vld [tilespmem:s21+$0x20];
	v5 =	vunpack.i.l.bf16.f32 v18;
	v8 =	vmul.bf16 v8, v17;
	(xrf2) =	vadd.scan.msk.f32 $0xffff, v9;
	v9 =	vunpack.i.l.bf16.f32 v21  }
0x78: {  	v22 =	vld [tilespmem:s25+$0x10];
	v15 =	vadd.f32 v15, v12;
	v12 =	vunpack.i.l.bf16.f32 v14;
	v14 =	vunpack.i.u.bf16.f32 v14;
	(xrf2) =	vadd.scan.msk.f32 $0xffff, v10  }
0x79: {  	v10 =	vunpack.i.u.bf16.f32 v21;
	v17 =	vmul.bf16 v19, v20;
	v19 =	vadd.f32 v5, v16;
	v16 =	vld [tilespmem:s21+$0x10]  }
0x7a: {  	s31 =	simm.s32 $0x3;
	v21 =	vunpack.i.l.bf16.f32 v8;
	v8 =	vunpack.i.u.bf16.f32 v8;
	v5 =	vadd.f32 v11, v13;
	v13 =	vld [tilespmem:s21+$0x70]  }
0x7b: {  	v14 =	vadd.f32 v12, v14;
	v11 =	vmov s31;
	v18 =	vmul.bf16 v59, v23;
	v20 =	vld [tilespmem:s25+$0x70]  }
0x7c: {  	v62 =	vld [tilespmem:s21+$0x60];
	v6 =	vadd.f32 v9, v10;
	vm2 =	veq.s32 v11, v0;
	v12 =	vunpack.i.l.bf16.f32 v17  }
0x7d: {  	v11 =	vld [tilespmem:s21+$0x50];
	v17 =	vunpack.i.u.bf16.f32 v17;
	v7 =	vunpack.i.u.bf16.f32 v18;
	v18 =	vunpack.i.l.bf16.f32 v18  }
0x7e: {  	v9, _, _ =	vpop (xrf2);
	v6 =	vadd.f32 v6, v19;
	v19 =	vld [tilespmem:s21+$0x30];
	v10 =	vmul.bf16 v16, v22;
	v22 =	vadd.f32 v12, v17  }
0x7f: {  	v21 =	vadd.f32 v21, v8;
	v16 =	vadd.f32 v18, v7;
	v12 =	vld [tilespmem:s25+$0x50];
	v7 =	vbroadcast v9, $0xF  }
0x80: {  	v8, _, _ =	vpop (xrf2);
	v17 =	vld [tilespmem:s21+$0x40];
	v13 =	vmul.bf16 v13, v20;
	v23 =	vunpack.i.u.bf16.f32 v10;
	v9 =	vadd.f32 v22, v14  }
0x81: {  	s24 =	simm.s32 $0xB;
	v18 =	vld [tilespmem:s25+$0x40];
	v20, _, _ =	vpop (xrf2);
	v14 =	vunpack.i.l.bf16.f32 v10;
	v10 =	vadd.f32 v21, v15;
	v22 =	vmul.bf16 v60, v61  }
0x82: {  	s22 =	sshll.u32 s20, $0x4;
	s23 =	simm.s32 $0x7;
	v21 =	vld [tilespmem:s25+$0x30];
	s25 =	sadd.s32 $0x100, s25;
	v15 =	vbroadcast v20, $0xF;
	v20, _, _ =	vpop (xrf2);
	v23 =	vadd.f32 v14, v23;
	v14 =	vmul.bf16 v62, v63  }
.LBB2_5:
0x83: {  	p2 =	sne.s32 s24, $0xF  }
0x84: {  	v24 =	vld [tilespmem:s25+$0xFFFFFF90];
	v25 =	vunpack.i.l.bf16.f32 v22;
	s21 =	sadd.s32 $0x100, s21;
	v20 =	vbroadcast v20, $0xF;
	s26 =	smov.u32 s24;
	s24 =	sadd.s32 $0x4, s24  }
0x85: {  	v22 =	vunpack.i.u.bf16.f32 v22;
	v26 =	vld [tilespmem:s21+$0xFFFFFFE0];
	v16 =	vadd.f32 v23, v16;
	v23 =	vunpack.i.l.bf16.f32 v14  }
0x86: {  	v11 =	vmul.bf16 v11, v12;
	v22 =	vadd.f32 v25, v22;
	v27 =	vld [tilespmem:s21+$0xFFFFFFD0];
	v17 =	vmul.bf16 v17, v18  }
0x87: {  	v8 =	vbroadcast v8, $0xF;
	v18 =	vunpack.i.u.bf16.f32 v13;
	v13 =	vunpack.i.l.bf16.f32 v13;
	v12 =	vld [tilespmem:s25+$0xFFFFFFC0]  }
0x88: {  	v2 =	vsel vm4, v15, v2;
	v25 =	vld [tilespmem:s21+$0xFFFFFFC0];
	v19 =	vmul.bf16 v19, v21;
	v21 =	vunpack.i.u.bf16.f32 v17  }
0x89: {  	v28 =	vunpack.i.u.bf16.f32 v11;
	v2 =	vsel vm1, v7, v2;
	v17 =	vunpack.i.l.bf16.f32 v17;
	v15 =	vld [tilespmem:s21+$0xFFFFFFB0]  }
0x8a: {  	v17 =	vadd.f32 v17, v21;
	v7 =	vld [tilespmem:s25+$0xFFFFFFB0];
	v29 =	vunpack.i.u.bf16.f32 v19;
	v19 =	vunpack.i.l.bf16.f32 v19  }
0x8b: {  	v14 =	vunpack.i.u.bf16.f32 v14;
	v11 =	vunpack.i.l.bf16.f32 v11;
	v21 =	vld [tilespmem:s21+$0xFFFFFFA0];
	v19 =	vadd.f32 v19, v29  }
0x8c: {  	v9 =	vadd.f32 v9, v10;
	s28 =	sadd.s32 $0xFFFFFFFD, s26;
	s29 =	sadd.s32 $0xFFFFFFFE, s26;
	v10 =	vadd.f32 v23, v14;
	v2 =	vsel vm3, v8, v2;
	v29 =	vld [tilespmem:s25+$0xFFFFFFA0]  }
0x8d: {  	v14 =	vmov s28;
	v23 =	vmov s29;
	s28 =	sadd.s32 $0xFFFFFFFF, s26;
	v13 =	vadd.f32 v13, v18;
	v8 =	vld [tilespmem:s25+$0xFFFFFF80]  }
0x8e: {  	vm3 =	veq.s32 v23, v0;
	v23 =	vmov s28;
	v11 =	vadd.f32 v11, v28;
	v18 =	vld [tilespmem:s21+$0xFFFFFF90]  }
0x8f: {  	v10 =	vadd.f32 v13, v10;
	v28 =	vld [tilespmem:s21+$0xFFFFFF80];
	v7 =	vmul.bf16 v15, v7;
	v15 =	vadd.f32 v19, v22;
	(xrf2) =	vadd.scan.msk.f32 $0xffff, v9  }
0x90: {  	v5 =	vadd.f32 v5, v6;
	v2 =	vsel vm2, v20, v2;
	v6 =	vadd.f32 v11, v17;
	v9 =	vld [tilespmem:s25+$0xFFFFFFE0]  }
0x91: {  	v12 =	vmul.bf16 v25, v12;
	v11 =	vunpack.i.l.bf16.f32 v7;
	v13 =	vld [tilespmem:s25+$0xFFFFFFD0];
	v15 =	vadd.f32 v15, v16  }
0x92: {  	v6 =	vadd.f32 v10, v6;
	v16 =	vmul.bf16 v21, v29;
	v7 =	vunpack.i.u.bf16.f32 v7;
	v17 =	vld [tilespmem:s25+$0xFFFFFFF0]  }
0x93: {  	vm1 =	vmmov vm0;
	v10 =	vunpack.i.u.bf16.f32 v12;
	v7 =	vadd.f32 v11, v7;
	v11 =	vld [tilespmem:s21+$0xFFFFFFF0];
	(xrf2) =	vadd.scan.msk.f32 $0xffff, v15  }
0x94: {  	v12 =	vunpack.i.l.bf16.f32 v12;
	v15 =	vmul.bf16 v18, v24;
	v8 =	vmul.bf16 v28, v8;
	v18 =	vld [tilespmem:s25+$0x10]  }
0x95: {  	v19 =	vunpack.i.u.bf16.f32 v16;
	v16 =	vunpack.i.l.bf16.f32 v16;
	v9 =	vmul.bf16 v26, v9;
	v20 =	vld [tilespmem:s21+$0x0]  }
0x96: {  	v10 =	vadd.f32 v12, v10;
	v16 =	vadd.f32 v16, v19;
	v21 =	vunpack.i.u.bf16.f32 v8;
	v12 =	vld [tilespmem:s25+$0x0];
	(xrf2) =	vadd.scan.msk.f32 $0xffff, v5  }
0x97: {  	vm0 =	vmmov vm3;
	v5 =	vunpack.i.l.bf16.f32 v8;
	v13 =	vmul.bf16 v27, v13;
	v19 =	vld [tilespmem:s21+$0x20]  }
0x98: {  	v22 =	vunpack.i.l.bf16.f32 v15;
	v8 =	vunpack.i.l.bf16.f32 v9;
	v11 =	vmul.bf16 v11, v17;
	v24 =	vld [tilespmem:s25+$0x20]  }
0x99: {  	v21 =	vadd.f32 v5, v21;
	v5 =	vadd.f32 v7, v16;
	v7 =	vunpack.i.u.bf16.f32 v9;
	v9 =	vld [tilespmem:s21+$0x10];
	v17, _, _ =	vpop (xrf2);
	(xrf2) =	vadd.scan.msk.f32 $0xffff, v6  }
0x9a: {  	v6 =	vunpack.i.u.bf16.f32 v15;
	v15 =	vadd.f32 v8, v7;
	v7 =	vmov s23;
	s23 =	smov.u32 s26;
	v25 =	vld [tilespmem:s21+$0x70]  }
0x9b: {  	v16 =	vunpack.i.l.bf16.f32 v11;
	vm2 =	veq.s32 v7, v0;
	v29 =	vmul.bf16 v20, v12;
	v20 =	vld [tilespmem:s25+$0x70]  }
0x9c: {  	vm3 =	veq.s32 v3, v0;
	v3 =	vmovc v23;
	v26 =	vunpack.i.l.bf16.f32 v13;
	v7 =	vunpack.i.u.bf16.f32 v11;
	v27 =	vld [tilespmem:s21+$0x60]  }
0x9d: {  	vm4 =	veq.s32 v4, v0;
	v12 =	vunpack.i.u.bf16.f32 v29;
	v23 =	vunpack.i.l.bf16.f32 v29;
	v28 =	vld [tilespmem:s25+$0x60];
	v8, _, _ =	vpop (xrf2)  }
0x9e: {  	v4 =	vmovc v14;
	v13 =	vunpack.i.u.bf16.f32 v13;
	v6 =	vadd.f32 v22, v6;
	v18 =	vmul.bf16 v9, v18;
	v11 =	vld [tilespmem:s21+$0x50]  }
.Ltmp5:
0x9f: {  	v9 =	vadd.f32 v16, v7;
	v16 =	vadd.f32 v23, v12;
	v7 =	vbroadcast v17, $0xF;
	v12 =	vld [tilespmem:s25+$0x50];
	(pc) =	sbr.rel @p2 .LBB2_5-.Ltmp5, $4  }
0xa0: {  	v14 =	vadd.f32 v26, v13;
	v23 =	vunpack.i.u.bf16.f32 v18;
	v17 =	vld [tilespmem:s21+$0x40];
	v13 =	vmul.bf16 v25, v20;
	v20, _, _ =	vpop (xrf2)  }
0xa1: {  	v9 =	vadd.f32 v9, v15;
	v15 =	vunpack.i.l.bf16.f32 v18;
	v18 =	vld [tilespmem:s25+$0x40]  }
0xa2: {  	v10 =	vadd.f32 v14, v10;
	v6 =	vadd.f32 v6, v21;
	v22 =	vmul.bf16 v19, v24;
	v19 =	vld [tilespmem:s21+$0x30]  }
0xa3: {  	v23 =	vadd.f32 v15, v23;
	v15 =	vbroadcast v20, $0xF;
	v14 =	vmul.bf16 v27, v28;
	v21 =	vld [tilespmem:s25+$0x30];
	s25 =	sadd.s32 $0x100, s25;
	v20, _, _ =	vpop (xrf2)  }
0xa4: {  	_ =	sdelay $0x2  }
0xa5: {  	v24 =	vunpack.i.l.bf16.f32 v22;
	v43 =	vunpack.i.u.bf16.f32 v22  }
0xa6: {  	v11 =	vmul.bf16 v11, v12;
	v46 =	vunpack.i.u.bf16.f32 v13;
	v19 =	vmul.bf16 v19, v21  }
0xa7: {  	v49 =	vunpack.i.l.bf16.f32 v13;
	v9 =	vadd.f32 v9, v10;
	v16 =	vadd.f32 v23, v16  }
0xa8: {  	v44 =	vunpack.i.l.bf16.f32 v14;
	v47 =	vunpack.i.u.bf16.f32 v19;
	v19 =	vunpack.i.l.bf16.f32 v19  }
0xa9: {  	v45 =	vadd.f32 v24, v43;
	v17 =	vmul.bf16 v17, v18;
	v18 =	vadd.f32 v19, v47  }
0xaa: {  	v51 =	vunpack.i.u.bf16.f32 v14;
	v12 =	vadd.f32 v49, v46;
	v50 =	vunpack.i.u.bf16.f32 v11  }
0xab: {  	v11 =	vunpack.i.l.bf16.f32 v11;
	v14 =	vadd.f32 v44, v51;
	v52 =	vadd.f32 v18, v45  }
0xac: {  	v11 =	vadd.f32 v11, v50;
	v48 =	vunpack.i.u.bf16.f32 v17;
	v17 =	vunpack.i.l.bf16.f32 v17  }
0xad: {  	v17 =	vadd.f32 v17, v48;
	v10 =	vadd.f32 v52, v16  }
0xae: {  	v5 =	vadd.f32 v5, v6;
	(xrf2) =	vadd.scan.msk.f32 $0xffff, v9  }
0xaf: {  	v53 =	vadd.f32 v12, v14;
	v54 =	vadd.f32 v11, v17;
	(xrf2) =	vadd.scan.msk.f32 $0xffff, v10  }
0xb0: {  	(xrf2) =	vadd.scan.msk.f32 $0xffff, v5  }
0xb1: {  	v55 =	vadd.f32 v53, v54;
	_ =	sdelay $0x1  }
0xb2: {  	(xrf2) =	vadd.scan.msk.f32 $0xffff, v55;
	_ =	sdelay $0x4  }
0xb3: {  	v56, _, _ =	vpop (xrf2)  }
0xb4: {  	v57 =	vbroadcast v8, $0xF;
	v2 =	vsel vm4, v15, v2;
	v59, _, _ =	vpop (xrf2)  }
0xb5: {  	v58 =	vbroadcast v20, $0xF;
	v2 =	vsel vm1, v7, v2;
	v60, _, _ =	vpop (xrf2)  }
0xb6: {  	vm0 =	vmmov vm0;
	s20 =	sadd.s32 $0x1, s20;
	v2 =	vsel vm3, v57, v2;
	v6 =	vbroadcast v60, $0xF  }
0xb7: {  	vm13 =	veq.s32 v4, v0;
	p2 =	sne.s32 s20, $0x5;
	v2 =	vsel vm2, v58, v2;
	v61 =	vbroadcast v56, $0xF  }
.Ltmp6:
0xb8: {  	v62 =	vmov s23;
	v7 =	vbroadcast v59, $0xF;
	v63, _, _ =	vpop (xrf2);
	v2 =	vsel vm13, v6, v2;
	(pc) =	sbr.rel @p2 .LBB2_4-.Ltmp6, $4  }
.Ltmp7:
0xb9: {  	vm14 =	veq.s32 v3, v0;
	v3 =	vbroadcast v63, $0xF;
	v2 =	vsel vm0, v61, v2;
	(pc) =	sbr.rel @!p2 .LBB2_7-.Ltmp7, $4  }
0xba: {  	vm15 =	veq.s32 v62, v0;
	v2 =	vsel vm14, v7, v2  }
0xbb: {  	v2 =	vsel vm15, v3, v2  }
0xbc: {  	s18 =	sadd.s32 $0x400, s18;
	s19 =	sadd.s32 $0x400, s19;
	[tilespmem:v1+s22+$0x0 ss:$0x1] =	vst.idx.msk $0xffff, v2  }
0xbd: {  	_ = 	snop  }
.LBB2_9:
0xbe: {  	_ =	sfence.sel $0x180000  }
0xbf: {  	[bflag:$0x0] =	sbarrier.arrive $0xFFFF  }
0xc0: {  	_ =	strace $0x90000047  }
0xc1: {  	s0 =	sadd.s32 @!p0 $0x100000, s0;
	[bflag:$0x2] =	sbarrier.arrive $0xFFFF  }
0xc2: {  	[sflag:s0] =	ssyncadd.tile.s32 @!p0 $0x1;
	_ =	shalt  }
.Lfunc_end2:
_tile_overlayer_lowered:
.L_overlay_start_2:
0xc3: {  	(tag) =	ssettag $0x2  }
0xc4: {  	s0 =	rddreg [dreg:$0x0];
	s2 =	stileid.u32  }
0xc5: {  	s1 =	rddreg [dreg:$0x1];
	p0 =	sne.s32 s2, $0x0  }
0xc6: {  	s3 =	rddreg [dreg:$0x2];
	[bflag:$0x3] =	sbarrier.arrive $0xFFFF;
	s2 =	simm.s32 @!p0 $0x1C03  }
0xc7: {  	[timem:s3], [sflag:s2] =	dma.local @!p0 [hbm:s0], s1  }
0xc8: {  	s0 =	simm.s32 @!p0 $0x3  }
0xc9: {  	_ =	swait.ge @!p0 [sflag:s0], s1  }
0xca: {  	s1 =	ssub.s32 @!p0 $0x0, s1;
	[sflag:s0] =	ssyncset.done @!p0 $0x0  }
0xcb: {  	[sflag:s0] =	ssyncadd.s32 @!p0 s1  }
0xcc: {  	[bflag:$0x3] =	sbarrier.arrive $0xFFFF  }
0xcd: {  	_ =	shalt  }

</sc_bundles>
